<compile_context>
chip_gen: v7x
topology: tpu7x:2x2x1
jax: 0.10.2.dev20260603
libtpu: 0.0.44.dev20260713+nightly
codegen_flags: <defaults>
</compile_context>

<pallas_src>
import functools

import jax
import jax.numpy as jnp
from jax import lax
from jax.experimental import pallas as pl
from jax.experimental.pallas import tpu as pltpu
from jax.experimental.pallas import tpu_sc as plsc

NUM_CLASSES = 100000
EMBED_DIM = 64
MULT = 26
BATCH = 4096

B = BATCH * MULT
NC, NS = 2, 16
NW = NC * NS
BPW = B // NW
PADD = 128
GCH = 128
NG = 2
SLOT = NG * GCH
NSLOT = BPW // SLOT


def _emb_body(idx_hbm, table_hbm, out_hbm, idx_v, rows0, rows1, g0, g1):
    wid = lax.axis_index("s") * NC + lax.axis_index("c")
    base = wid * BPW
    pltpu.sync_copy(idx_hbm.at[pl.ds(base, BPW)], idx_v)

    lanes = lax.iota(jnp.int32, 16)

    def add_off(j, carry):
        p = lanes + j * 16
        off = lax.rem(p, MULT) * NUM_CLASSES
        idx_v[pl.ds(j * 16, 16)] = idx_v[pl.ds(j * 16, 16)] + off
        return carry

    lax.fori_loop(0, BPW // 16, add_off, 0)

    rows = (rows0, rows1)
    gsem = (g0, g1)

    def writeback(s):
        pltpu.sync_copy(rows[s % 2], out_hbm.at[pl.ds(base + s * SLOT, SLOT)])

    gd = [None] * NSLOT
    for s in range(NSLOT):
        buf = rows[s % 2]
        gd[s] = [
            pltpu.async_copy(
                table_hbm.at[idx_v.at[pl.ds(s * SLOT + c * GCH, GCH)]],
                buf.at[pl.ds(c * GCH, GCH)],
                gsem[s % 2],
            )
            for c in range(NG)
        ]
        if s >= 1:
            for d in gd[s - 1]:
                d.wait()
            writeback(s - 1)
    for d in gd[NSLOT - 1]:
        d.wait()
    writeback(NSLOT - 1)


def kernel(to_emb, table):
    idx_flat = to_emb.reshape(B).astype(jnp.int32)
    tpad = jnp.pad(table, ((0, 0), (0, PADD - EMBED_DIM)))
    mesh = plsc.VectorSubcoreMesh(core_axis_name="c", subcore_axis_name="s")
    run = functools.partial(
        pl.kernel,
        mesh=mesh,
        out_type=jax.ShapeDtypeStruct((B, PADD), jnp.float32),
        scratch_types=[
            pltpu.VMEM((BPW,), jnp.int32),
            pltpu.VMEM((SLOT, PADD), jnp.float32),
            pltpu.VMEM((SLOT, PADD), jnp.float32),
            pltpu.SemaphoreType.DMA,
            pltpu.SemaphoreType.DMA,
        ],
    )(_emb_body)
    out = run(idx_flat, tpad)
    return out[:, :EMBED_DIM].reshape(BATCH, MULT, EMBED_DIM)

# --- scband reference (transcript-rebuilt; emitter-appended) ---
"""Pipeline reference for scband-feat-embedding-15522011807770 (READ-ONLY COPY).

The authoritative reference and input builder live on the scoring server;
editing this copy changes nothing except your own understanding.
"""

import jax, jax.numpy as jnp
import numpy as np

NUM_CLASSES = 100000
EMBED_DIM = 64
MULT = 26
BATCH = 4096


def setup_inputs(seed: int = 0) -> dict:
    key = jax.random.key(seed)
    k1, k2 = jax.random.split(key)
    to_emb = jax.random.randint(k1, (BATCH, MULT), 0, NUM_CLASSES, dtype=jnp.int64 if jax.config.jax_enable_x64 else jnp.int32)
    table = jax.random.normal(k2, (MULT * NUM_CLASSES, EMBED_DIM), dtype=jnp.float32) * 0.02
    return {"to_emb": to_emb, "table": table}


def reference(to_emb, table):
    # offsets: shift each of the `mult` columns into its own slice of the table
    offsets = jnp.arange(MULT, dtype=to_emb.dtype) * NUM_CLASSES  # [mult]
    shifted = to_emb + offsets[None, :]  # [B, mult]
    # embedding lookup (gather rows)
    out = jnp.take(table, shifted, axis=0)  # [B, mult, embed_dim]
    return out

if __name__ == "__main__":
    import jax
    _d = setup_inputs()
    print(jax.jit(kernel)(*tuple(_d.values())))

</pallas_src>

<mosaic_0001>
#map = affine_map<(d0, d1) -> (0)>
#map1 = affine_map<(d0, d1) -> (0, 0)>
module attributes {stable_mosaic.version = 14 : i64} {
  func.func @_emb_body(%arg0: i32, %arg1: i32, %arg2: memref<106496xi32, #tpu.memory_space<hbm>>, %arg3: memref<2600000x128xf32, #tpu.memory_space<hbm>>, %arg4: memref<106496x128xf32, #tpu.memory_space<hbm>>, %arg5: memref<3328xi32, #tpu.memory_space<vmem>>, %arg6: memref<256x128xf32, #tpu.memory_space<vmem>>, %arg7: memref<256x128xf32, #tpu.memory_space<vmem>>, %arg8: memref<!tpu.dma_semaphore, #tpu.memory_space<semaphore_mem>>, %arg9: memref<!tpu.dma_semaphore, #tpu.memory_space<semaphore_mem>>) attributes {dimension_semantics = [#tpu.dimension_semantics<core_parallel>, #tpu.dimension_semantics<subcore_parallel>], iteration_bounds = array<i64: 2, 16>, scalar_prefetch = 0 : i64, scratch_operands = 5 : i64, tpu.core_type = #tpu.core_type<sc_vector_subcore>, window_params = [{transform_indices = #map}, {transform_indices = #map1}, {transform_indices = #map1}]} {
    %mul3A = arith.constant 2 : i32
    %mul3A_0 = arith.muli %arg1, %mul3A : i32
    %add3A = arith.addi %mul3A_0, %arg0 : i32
    %mul3A_1 = arith.constant 3328 : i32
    %mul3A_2 = arith.muli %add3A, %mul3A_1 : i32
    "tpu.region"() ({
      %run_scoped3A = tpu.sem_alloc : memref<!tpu.dma_semaphore, #tpu.memory_space<semaphore_mem>>
      %dma_start3A_448 = tpu.memref_slice %arg2[%mul3A_2] : memref<106496xi32, #tpu.memory_space<hbm>> -> memref<3328xi32, #tpu.memory_space<hbm>>
      %dma_start3A_449 = tpu.memref_slice %arg2[%mul3A_2] : memref<106496xi32, #tpu.memory_space<hbm>> -> memref<3328xi32, #tpu.memory_space<hbm>>
      tpu.enqueue_dma source(%dma_start3A_449 : memref<3328xi32, #tpu.memory_space<hbm>>) target(%arg5 : memref<3328xi32, #tpu.memory_space<vmem>>) target_semaphore(%run_scoped3A : memref<!tpu.dma_semaphore, #tpu.memory_space<semaphore_mem>>)
      %dma_wait3A_450 = tpu.memref_slice %arg2[%mul3A_2] : memref<106496xi32, #tpu.memory_space<hbm>> -> memref<3328xi32, #tpu.memory_space<hbm>>
      %dma_wait3A_451 = tpu.memref_slice %arg2[%mul3A_2] : memref<106496xi32, #tpu.memory_space<hbm>> -> memref<3328xi32, #tpu.memory_space<hbm>>
      tpu.wait_dma2 semaphore(%run_scoped3A : memref<!tpu.dma_semaphore, #tpu.memory_space<semaphore_mem>>) src(%dma_wait3A_451 : memref<3328xi32, #tpu.memory_space<hbm>>) dst(%arg5 : memref<3328xi32, #tpu.memory_space<vmem>>)
      tpu.yield
    }) : () -> ()
    %iota3A = tpu.iota {dimensions = array<i32: 0>} : vector<16xi32>
    %scan3A = arith.constant 0 : i32
    %scan3A_3 = arith.constant 0 : i32
    %scan3A_4 = arith.constant 208 : i32
    %scan3A_5 = arith.addi %scan3A_3, %scan3A_4 : i32
    %scan3A_6 = arith.constant 1 : i32
    scf.for %scan3A_448 = %scan3A_3 to %scan3A_5 step %scan3A_6  : i32 {
      %mul3A_449 = arith.constant 16 : i32
      %mul3A_450 = arith.muli %scan3A_448, %mul3A_449 : i32
      %add3A_451 = vector.broadcast %mul3A_450 : i32 to vector<16xi32>
      %add3A_452 = arith.addi %iota3A, %add3A_451 : vector<16xi32>
      %rem3A = arith.constant 26 : i32
      %rem3A_453 = vector.broadcast %rem3A : i32 to vector<16xi32>
      %rem3A_454 = arith.remsi %add3A_452, %rem3A_453 : vector<16xi32>
      %mul3A_455 = arith.constant 100000 : i32
      %mul3A_456 = vector.broadcast %mul3A_455 : i32 to vector<16xi32>
      %mul3A_457 = arith.muli %rem3A_454, %mul3A_456 : vector<16xi32>
      %mul3A_458 = arith.constant 16 : i32
      %mul3A_459 = arith.muli %scan3A_448, %mul3A_458 : i32
      %get3A = arith.index_cast %mul3A_459 : i32 to index
      %get3A_460 = tpu.vector_load %arg5[%get3A] {strides = array<i32>} : memref<3328xi32, #tpu.memory_space<vmem>>, vector<16xi32>,
      %get3A_461 = vector.shape_cast %get3A_460 : vector<16xi32> to vector<16xi32>
      %add3A_462 = arith.addi %get3A_461, %mul3A_457 : vector<16xi32>
      %mul3A_463 = arith.constant 16 : i32
      %mul3A_464 = arith.muli %scan3A_448, %mul3A_463 : i32
      %swap3A = arith.index_cast %mul3A_464 : i32 to index
      %swap3A_465 = tpu.vector_load %arg5[%swap3A] {strides = array<i32>} : memref<3328xi32, #tpu.memory_space<vmem>>, vector<16xi32>,
      %swap3A_466 = vector.shape_cast %swap3A_465 : vector<16xi32> to vector<16xi32>
      %swap3A_467 = vector.shape_cast %add3A_462 : vector<16xi32> to vector<16xi32>
      tpu.vector_store %arg5[%swap3A], %swap3A_467 {strides = array<i32>} : memref<3328xi32, #tpu.memory_space<vmem>>, vector<16xi32>,
    }
    %scan3A_7 = arith.constant 208 : i32
    %dma_start3A = arith.constant 0 : i32
    %dma_start3A_8 = arith.constant 0 : i32
    %dma_start3A_9 = tpu.memref_slice %arg6[%dma_start3A, %dma_start3A_8] : memref<256x128xf32, #tpu.memory_space<vmem>> -> memref<128x128xf32, #tpu.memory_space<vmem>>
    %dma_start3A_10 = arith.constant 0 : i32
    %dma_start3A_11 = tpu.memref_slice %arg5[%dma_start3A_10] : memref<3328xi32, #tpu.memory_space<vmem>> -> memref<128xi32, #tpu.memory_space<vmem>>
    %dma_start3A_12 = arith.constant 0 : i32
    %dma_start3A_13 = arith.constant 0 : i32
    %dma_start3A_14 = tpu.memref_slice %arg3[%dma_start3A_12, %dma_start3A_13] : memref<2600000x128xf32, #tpu.memory_space<hbm>> -> memref<2600000x128xf32, #tpu.memory_space<hbm>>
    tpu.enqueue_indirect_dma source(%dma_start3A_14 : memref<2600000x128xf32, #tpu.memory_space<hbm>>) target(%dma_start3A_9 : memref<128x128xf32, #tpu.memory_space<vmem>>) offsets(%dma_start3A_11 : memref<128xi32, #tpu.memory_space<vmem>>) semaphore(%arg8 : memref<!tpu.dma_semaphore, #tpu.memory_space<semaphore_mem>>)
    %dma_start3A_15 = arith.constant 128 : i32
    %dma_start3A_16 = arith.constant 0 : i32
    %dma_start3A_17 = tpu.memref_slice %arg6[%dma_start3A_15, %dma_start3A_16] : memref<256x128xf32, #tpu.memory_space<vmem>> -> memref<128x128xf32, #tpu.memory_space<vmem>>
    %dma_start3A_18 = arith.constant 128 : i32
    %dma_start3A_19 = tpu.memref_slice %arg5[%dma_start3A_18] : memref<3328xi32, #tpu.memory_space<vmem>> -> memref<128xi32, #tpu.memory_space<vmem>>
    %dma_start3A_20 = arith.constant 0 : i32
    %dma_start3A_21 = arith.constant 0 : i32
    %dma_start3A_22 = tpu.memref_slice %arg3[%dma_start3A_20, %dma_start3A_21] : memref<2600000x128xf32, #tpu.memory_space<hbm>> -> memref<2600000x128xf32, #tpu.memory_space<hbm>>
    tpu.enqueue_indirect_dma source(%dma_start3A_22 : memref<2600000x128xf32, #tpu.memory_space<hbm>>) target(%dma_start3A_17 : memref<128x128xf32, #tpu.memory_space<vmem>>) offsets(%dma_start3A_19 : memref<128xi32, #tpu.memory_space<vmem>>) semaphore(%arg8 : memref<!tpu.dma_semaphore, #tpu.memory_space<semaphore_mem>>)
    %dma_start3A_23 = arith.constant 0 : i32
    %dma_start3A_24 = arith.constant 0 : i32
    %dma_start3A_25 = tpu.memref_slice %arg7[%dma_start3A_23, %dma_start3A_24] : memref<256x128xf32, #tpu.memory_space<vmem>> -> memref<128x128xf32, #tpu.memory_space<vmem>>
    %dma_start3A_26 = arith.constant 256 : i32
    %dma_start3A_27 = tpu.memref_slice %arg5[%dma_start3A_26] : memref<3328xi32, #tpu.memory_space<vmem>> -> memref<128xi32, #tpu.memory_space<vmem>>
    %dma_start3A_28 = arith.constant 0 : i32
    %dma_start3A_29 = arith.constant 0 : i32
    %dma_start3A_30 = tpu.memref_slice %arg3[%dma_start3A_28, %dma_start3A_29] : memref<2600000x128xf32, #tpu.memory_space<hbm>> -> memref<2600000x128xf32, #tpu.memory_space<hbm>>
    tpu.enqueue_indirect_dma source(%dma_start3A_30 : memref<2600000x128xf32, #tpu.memory_space<hbm>>) target(%dma_start3A_25 : memref<128x128xf32, #tpu.memory_space<vmem>>) offsets(%dma_start3A_27 : memref<128xi32, #tpu.memory_space<vmem>>) semaphore(%arg9 : memref<!tpu.dma_semaphore, #tpu.memory_space<semaphore_mem>>)
    %dma_start3A_31 = arith.constant 128 : i32
    %dma_start3A_32 = arith.constant 0 : i32
    %dma_start3A_33 = tpu.memref_slice %arg7[%dma_start3A_31, %dma_start3A_32] : memref<256x128xf32, #tpu.memory_space<vmem>> -> memref<128x128xf32, #tpu.memory_space<vmem>>
    %dma_start3A_34 = arith.constant 384 : i32
    %dma_start3A_35 = tpu.memref_slice %arg5[%dma_start3A_34] : memref<3328xi32, #tpu.memory_space<vmem>> -> memref<128xi32, #tpu.memory_space<vmem>>
    %dma_start3A_36 = arith.constant 0 : i32
    %dma_start3A_37 = arith.constant 0 : i32
    %dma_start3A_38 = tpu.memref_slice %arg3[%dma_start3A_36, %dma_start3A_37] : memref<2600000x128xf32, #tpu.memory_space<hbm>> -> memref<2600000x128xf32, #tpu.memory_space<hbm>>
    tpu.enqueue_indirect_dma source(%dma_start3A_38 : memref<2600000x128xf32, #tpu.memory_space<hbm>>) target(%dma_start3A_33 : memref<128x128xf32, #tpu.memory_space<vmem>>) offsets(%dma_start3A_35 : memref<128xi32, #tpu.memory_space<vmem>>) semaphore(%arg9 : memref<!tpu.dma_semaphore, #tpu.memory_space<semaphore_mem>>)
    %dma_wait3A = arith.constant 0 : i32
    %dma_wait3A_39 = arith.constant 0 : i32
    %dma_wait3A_40 = tpu.memref_slice %arg6[%dma_wait3A, %dma_wait3A_39] : memref<256x128xf32, #tpu.memory_space<vmem>> -> memref<128x128xf32, #tpu.memory_space<vmem>>
    %dma_wait3A_41 = arith.constant 0 : i32
    %dma_wait3A_42 = tpu.memref_slice %arg5[%dma_wait3A_41] : memref<3328xi32, #tpu.memory_space<vmem>> -> memref<128xi32, #tpu.memory_space<vmem>>
    %dma_wait3A_43 = arith.constant 0 : i32
    %dma_wait3A_44 = arith.constant 0 : i32
    %dma_wait3A_45 = tpu.memref_slice %arg3[%dma_wait3A_43, %dma_wait3A_44] : memref<2600000x128xf32, #tpu.memory_space<hbm>> -> memref<2600000x128xf32, #tpu.memory_space<hbm>>
    tpu.wait_indirect_dma semaphore(%arg8 : memref<!tpu.dma_semaphore, #tpu.memory_space<semaphore_mem>>) src(%dma_wait3A_45 : memref<2600000x128xf32, #tpu.memory_space<hbm>>) dst(%dma_wait3A_40 : memref<128x128xf32, #tpu.memory_space<vmem>>)
    %dma_wait3A_46 = arith.constant 128 : i32
    %dma_wait3A_47 = arith.constant 0 : i32
    %dma_wait3A_48 = tpu.memref_slice %arg6[%dma_wait3A_46, %dma_wait3A_47] : memref<256x128xf32, #tpu.memory_space<vmem>> -> memref<128x128xf32, #tpu.memory_space<vmem>>
    %dma_wait3A_49 = arith.constant 128 : i32
    %dma_wait3A_50 = tpu.memref_slice %arg5[%dma_wait3A_49] : memref<3328xi32, #tpu.memory_space<vmem>> -> memref<128xi32, #tpu.memory_space<vmem>>
    %dma_wait3A_51 = arith.constant 0 : i32
    %dma_wait3A_52 = arith.constant 0 : i32
    %dma_wait3A_53 = tpu.memref_slice %arg3[%dma_wait3A_51, %dma_wait3A_52] : memref<2600000x128xf32, #tpu.memory_space<hbm>> -> memref<2600000x128xf32, #tpu.memory_space<hbm>>
    tpu.wait_indirect_dma semaphore(%arg8 : memref<!tpu.dma_semaphore, #tpu.memory_space<semaphore_mem>>) src(%dma_wait3A_53 : memref<2600000x128xf32, #tpu.memory_space<hbm>>) dst(%dma_wait3A_48 : memref<128x128xf32, #tpu.memory_space<vmem>>)
    %add3A_54 = arith.constant 0 : i32
    %add3A_55 = arith.addi %mul3A_2, %add3A_54 : i32
    "tpu.region"() ({
      %run_scoped3A = tpu.sem_alloc : memref<!tpu.dma_semaphore, #tpu.memory_space<semaphore_mem>>
      %dma_start3A_448 = arith.constant 0 : i32
      %dma_start3A_449 = tpu.memref_slice %arg4[%add3A_55, %dma_start3A_448] : memref<106496x128xf32, #tpu.memory_space<hbm>> -> memref<256x128xf32, #tpu.memory_space<hbm>>
      %dma_start3A_450 = arith.constant 0 : i32
      %dma_start3A_451 = tpu.memref_slice %arg4[%add3A_55, %dma_start3A_450] : memref<106496x128xf32, #tpu.memory_space<hbm>> -> memref<256x128xf32, #tpu.memory_space<hbm>>
      tpu.enqueue_dma source(%arg6 : memref<256x128xf32, #tpu.memory_space<vmem>>) target(%dma_start3A_451 : memref<256x128xf32, #tpu.memory_space<hbm>>) target_semaphore(%run_scoped3A : memref<!tpu.dma_semaphore, #tpu.memory_space<semaphore_mem>>)
      %dma_wait3A_452 = arith.constant 0 : i32
      %dma_wait3A_453 = tpu.memref_slice %arg4[%add3A_55, %dma_wait3A_452] : memref<106496x128xf32, #tpu.memory_space<hbm>> -> memref<256x128xf32, #tpu.memory_space<hbm>>
      %dma_wait3A_454 = arith.constant 0 : i32
      %dma_wait3A_455 = tpu.memref_slice %arg4[%add3A_55, %dma_wait3A_454] : memref<106496x128xf32, #tpu.memory_space<hbm>> -> memref<256x128xf32, #tpu.memory_space<hbm>>
      tpu.wait_dma2 semaphore(%run_scoped3A : memref<!tpu.dma_semaphore, #tpu.memory_space<semaphore_mem>>) src(%arg6 : memref<256x128xf32, #tpu.memory_space<vmem>>) dst(%dma_wait3A_455 : memref<256x128xf32, #tpu.memory_space<hbm>>)
      tpu.yield
    }) : () -> ()
    %dma_start3A_56 = arith.constant 0 : i32
    %dma_start3A_57 = arith.constant 0 : i32
    %dma_start3A_58 = tpu.memref_slice %arg6[%dma_start3A_56, %dma_start3A_57] : memref<256x128xf32, #tpu.memory_space<vmem>> -> memref<128x128xf32, #tpu.memory_space<vmem>>
    %dma_start3A_59 = arith.constant 512 : i32
    %dma_start3A_60 = tpu.memref_slice %arg5[%dma_start3A_59] : memref<3328xi32, #tpu.memory_space<vmem>> -> memref<128xi32, #tpu.memory_space<vmem>>
    %dma_start3A_61 = arith.constant 0 : i32
    %dma_start3A_62 = arith.constant 0 : i32
    %dma_start3A_63 = tpu.memref_slice %arg3[%dma_start3A_61, %dma_start3A_62] : memref<2600000x128xf32, #tpu.memory_space<hbm>> -> memref<2600000x128xf32, #tpu.memory_space<hbm>>
    tpu.enqueue_indirect_dma source(%dma_start3A_63 : memref<2600000x128xf32, #tpu.memory_space<hbm>>) target(%dma_start3A_58 : memref<128x128xf32, #tpu.memory_space<vmem>>) offsets(%dma_start3A_60 : memref<128xi32, #tpu.memory_space<vmem>>) semaphore(%arg8 : memref<!tpu.dma_semaphore, #tpu.memory_space<semaphore_mem>>)
    %dma_start3A_64 = arith.constant 128 : i32
    %dma_start3A_65 = arith.constant 0 : i32
    %dma_start3A_66 = tpu.memref_slice %arg6[%dma_start3A_64, %dma_start3A_65] : memref<256x128xf32, #tpu.memory_space<vmem>> -> memref<128x128xf32, #tpu.memory_space<vmem>>
    %dma_start3A_67 = arith.constant 640 : i32
    %dma_start3A_68 = tpu.memref_slice %arg5[%dma_start3A_67] : memref<3328xi32, #tpu.memory_space<vmem>> -> memref<128xi32, #tpu.memory_space<vmem>>
    %dma_start3A_69 = arith.constant 0 : i32
    %dma_start3A_70 = arith.constant 0 : i32
    %dma_start3A_71 = tpu.memref_slice %arg3[%dma_start3A_69, %dma_start3A_70] : memref<2600000x128xf32, #tpu.memory_space<hbm>> -> memref<2600000x128xf32, #tpu.memory_space<hbm>>
    tpu.enqueue_indirect_dma source(%dma_start3A_71 : memref<2600000x128xf32, #tpu.memory_space<hbm>>) target(%dma_start3A_66 : memref<128x128xf32, #tpu.memory_space<vmem>>) offsets(%dma_start3A_68 : memref<128xi32, #tpu.memory_space<vmem>>) semaphore(%arg8 : memref<!tpu.dma_semaphore, #tpu.memory_space<semaphore_mem>>)
    %dma_wait3A_72 = arith.constant 0 : i32
    %dma_wait3A_73 = arith.constant 0 : i32
    %dma_wait3A_74 = tpu.memref_slice %arg7[%dma_wait3A_72, %dma_wait3A_73] : memref<256x128xf32, #tpu.memory_space<vmem>> -> memref<128x128xf32, #tpu.memory_space<vmem>>
    %dma_wait3A_75 = arith.constant 256 : i32
    %dma_wait3A_76 = tpu.memref_slice %arg5[%dma_wait3A_75] : memref<3328xi32, #tpu.memory_space<vmem>> -> memref<128xi32, #tpu.memory_space<vmem>>
    %dma_wait3A_77 = arith.constant 0 : i32
    %dma_wait3A_78 = arith.constant 0 : i32
    %dma_wait3A_79 = tpu.memref_slice %arg3[%dma_wait3A_77, %dma_wait3A_78] : memref<2600000x128xf32, #tpu.memory_space<hbm>> -> memref<2600000x128xf32, #tpu.memory_space<hbm>>
    tpu.wait_indirect_dma semaphore(%arg9 : memref<!tpu.dma_semaphore, #tpu.memory_space<semaphore_mem>>) src(%dma_wait3A_79 : memref<2600000x128xf32, #tpu.memory_space<hbm>>) dst(%dma_wait3A_74 : memref<128x128xf32, #tpu.memory_space<vmem>>)
    %dma_wait3A_80 = arith.constant 128 : i32
    %dma_wait3A_81 = arith.constant 0 : i32
    %dma_wait3A_82 = tpu.memref_slice %arg7[%dma_wait3A_80, %dma_wait3A_81] : memref<256x128xf32, #tpu.memory_space<vmem>> -> memref<128x128xf32, #tpu.memory_space<vmem>>
    %dma_wait3A_83 = arith.constant 384 : i32
    %dma_wait3A_84 = tpu.memref_slice %arg5[%dma_wait3A_83] : memref<3328xi32, #tpu.memory_space<vmem>> -> memref<128xi32, #tpu.memory_space<vmem>>
    %dma_wait3A_85 = arith.constant 0 : i32
    %dma_wait3A_86 = arith.constant 0 : i32
    %dma_wait3A_87 = tpu.memref_slice %arg3[%dma_wait3A_85, %dma_wait3A_86] : memref<2600000x128xf32, #tpu.memory_space<hbm>> -> memref<2600000x128xf32, #tpu.memory_space<hbm>>
    tpu.wait_indirect_dma semaphore(%arg9 : memref<!tpu.dma_semaphore, #tpu.memory_space<semaphore_mem>>) src(%dma_wait3A_87 : memref<2600000x128xf32, #tpu.memory_space<hbm>>) dst(%dma_wait3A_82 : memref<128x128xf32, #tpu.memory_space<vmem>>)
    %add3A_88 = arith.constant 256 : i32
    %add3A_89 = arith.addi %mul3A_2, %add3A_88 : i32
    "tpu.region"() ({
      %run_scoped3A = tpu.sem_alloc : memref<!tpu.dma_semaphore, #tpu.memory_space<semaphore_mem>>
      %dma_start3A_448 = arith.constant 0 : i32
      %dma_start3A_449 = tpu.memref_slice %arg4[%add3A_89, %dma_start3A_448] : memref<106496x128xf32, #tpu.memory_space<hbm>> -> memref<256x128xf32, #tpu.memory_space<hbm>>
      %dma_start3A_450 = arith.constant 0 : i32
      %dma_start3A_451 = tpu.memref_slice %arg4[%add3A_89, %dma_start3A_450] : memref<106496x128xf32, #tpu.memory_space<hbm>> -> memref<256x128xf32, #tpu.memory_space<hbm>>
      tpu.enqueue_dma source(%arg7 : memref<256x128xf32, #tpu.memory_space<vmem>>) target(%dma_start3A_451 : memref<256x128xf32, #tpu.memory_space<hbm>>) target_semaphore(%run_scoped3A : memref<!tpu.dma_semaphore, #tpu.memory_space<semaphore_mem>>)
      %dma_wait3A_452 = arith.constant 0 : i32
      %dma_wait3A_453 = tpu.memref_slice %arg4[%add3A_89, %dma_wait3A_452] : memref<106496x128xf32, #tpu.memory_space<hbm>> -> memref<256x128xf32, #tpu.memory_space<hbm>>
      %dma_wait3A_454 = arith.constant 0 : i32
      %dma_wait3A_455 = tpu.memref_slice %arg4[%add3A_89, %dma_wait3A_454] : memref<106496x128xf32, #tpu.memory_space<hbm>> -> memref<256x128xf32, #tpu.memory_space<hbm>>
      tpu.wait_dma2 semaphore(%run_scoped3A : memref<!tpu.dma_semaphore, #tpu.memory_space<semaphore_mem>>) src(%arg7 : memref<256x128xf32, #tpu.memory_space<vmem>>) dst(%dma_wait3A_455 : memref<256x128xf32, #tpu.memory_space<hbm>>)
      tpu.yield
    }) : () -> ()
    %dma_start3A_90 = arith.constant 0 : i32
    %dma_start3A_91 = arith.constant 0 : i32
    %dma_start3A_92 = tpu.memref_slice %arg7[%dma_start3A_90, %dma_start3A_91] : memref<256x128xf32, #tpu.memory_space<vmem>> -> memref<128x128xf32, #tpu.memory_space<vmem>>
    %dma_start3A_93 = arith.constant 768 : i32
    %dma_start3A_94 = tpu.memref_slice %arg5[%dma_start3A_93] : memref<3328xi32, #tpu.memory_space<vmem>> -> memref<128xi32, #tpu.memory_space<vmem>>
    %dma_start3A_95 = arith.constant 0 : i32
    %dma_start3A_96 = arith.constant 0 : i32
    %dma_start3A_97 = tpu.memref_slice %arg3[%dma_start3A_95, %dma_start3A_96] : memref<2600000x128xf32, #tpu.memory_space<hbm>> -> memref<2600000x128xf32, #tpu.memory_space<hbm>>
    tpu.enqueue_indirect_dma source(%dma_start3A_97 : memref<2600000x128xf32, #tpu.memory_space<hbm>>) target(%dma_start3A_92 : memref<128x128xf32, #tpu.memory_space<vmem>>) offsets(%dma_start3A_94 : memref<128xi32, #tpu.memory_space<vmem>>) semaphore(%arg9 : memref<!tpu.dma_semaphore, #tpu.memory_space<semaphore_mem>>)
    %dma_start3A_98 = arith.constant 128 : i32
    %dma_start3A_99 = arith.constant 0 : i32
    %dma_start3A_100 = tpu.memref_slice %arg7[%dma_start3A_98, %dma_start3A_99] : memref<256x128xf32, #tpu.memory_space<vmem>> -> memref<128x128xf32, #tpu.memory_space<vmem>>
    %dma_start3A_101 = arith.constant 896 : i32
    %dma_start3A_102 = tpu.memref_slice %arg5[%dma_start3A_101] : memref<3328xi32, #tpu.memory_space<vmem>> -> memref<128xi32, #tpu.memory_space<vmem>>
    %dma_start3A_103 = arith.constant 0 : i32
    %dma_start3A_104 = arith.constant 0 : i32
    %dma_start3A_105 = tpu.memref_slice %arg3[%dma_start3A_103, %dma_start3A_104] : memref<2600000x128xf32, #tpu.memory_space<hbm>> -> memref<2600000x128xf32, #tpu.memory_space<hbm>>
    tpu.enqueue_indirect_dma source(%dma_start3A_105 : memref<2600000x128xf32, #tpu.memory_space<hbm>>) target(%dma_start3A_100 : memref<128x128xf32, #tpu.memory_space<vmem>>) offsets(%dma_start3A_102 : memref<128xi32, #tpu.memory_space<vmem>>) semaphore(%arg9 : memref<!tpu.dma_semaphore, #tpu.memory_space<semaphore_mem>>)
    %dma_wait3A_106 = arith.constant 0 : i32
    %dma_wait3A_107 = arith.constant 0 : i32
    %dma_wait3A_108 = tpu.memref_slice %arg6[%dma_wait3A_106, %dma_wait3A_107] : memref<256x128xf32, #tpu.memory_space<vmem>> -> memref<128x128xf32, #tpu.memory_space<vmem>>
    %dma_wait3A_109 = arith.constant 512 : i32
    %dma_wait3A_110 = tpu.memref_slice %arg5[%dma_wait3A_109] : memref<3328xi32, #tpu.memory_space<vmem>> -> memref<128xi32, #tpu.memory_space<vmem>>
    %dma_wait3A_111 = arith.constant 0 : i32
    %dma_wait3A_112 = arith.constant 0 : i32
    %dma_wait3A_113 = tpu.memref_slice %arg3[%dma_wait3A_111, %dma_wait3A_112] : memref<2600000x128xf32, #tpu.memory_space<hbm>> -> memref<2600000x128xf32, #tpu.memory_space<hbm>>
    tpu.wait_indirect_dma semaphore(%arg8 : memref<!tpu.dma_semaphore, #tpu.memory_space<semaphore_mem>>) src(%dma_wait3A_113 : memref<2600000x128xf32, #tpu.memory_space<hbm>>) dst(%dma_wait3A_108 : memref<128x128xf32, #tpu.memory_space<vmem>>)
    %dma_wait3A_114 = arith.constant 128 : i32
    %dma_wait3A_115 = arith.constant 0 : i32
    %dma_wait3A_116 = tpu.memref_slice %arg6[%dma_wait3A_114, %dma_wait3A_115] : memref<256x128xf32, #tpu.memory_space<vmem>> -> memref<128x128xf32, #tpu.memory_space<vmem>>
    %dma_wait3A_117 = arith.constant 640 : i32
    %dma_wait3A_118 = tpu.memref_slice %arg5[%dma_wait3A_117] : memref<3328xi32, #tpu.memory_space<vmem>> -> memref<128xi32, #tpu.memory_space<vmem>>
    %dma_wait3A_119 = arith.constant 0 : i32
    %dma_wait3A_120 = arith.constant 0 : i32
    %dma_wait3A_121 = tpu.memref_slice %arg3[%dma_wait3A_119, %dma_wait3A_120] : memref<2600000x128xf32, #tpu.memory_space<hbm>> -> memref<2600000x128xf32, #tpu.memory_space<hbm>>
    tpu.wait_indirect_dma semaphore(%arg8 : memref<!tpu.dma_semaphore, #tpu.memory_space<semaphore_mem>>) src(%dma_wait3A_121 : memref<2600000x128xf32, #tpu.memory_space<hbm>>) dst(%dma_wait3A_116 : memref<128x128xf32, #tpu.memory_space<vmem>>)
    %add3A_122 = arith.constant 512 : i32
    %add3A_123 = arith.addi %mul3A_2, %add3A_122 : i32
    "tpu.region"() ({
      %run_scoped3A = tpu.sem_alloc : memref<!tpu.dma_semaphore, #tpu.memory_space<semaphore_mem>>
      %dma_start3A_448 = arith.constant 0 : i32
      %dma_start3A_449 = tpu.memref_slice %arg4[%add3A_123, %dma_start3A_448] : memref<106496x128xf32, #tpu.memory_space<hbm>> -> memref<256x128xf32, #tpu.memory_space<hbm>>
      %dma_start3A_450 = arith.constant 0 : i32
      %dma_start3A_451 = tpu.memref_slice %arg4[%add3A_123, %dma_start3A_450] : memref<106496x128xf32, #tpu.memory_space<hbm>> -> memref<256x128xf32, #tpu.memory_space<hbm>>
      tpu.enqueue_dma source(%arg6 : memref<256x128xf32, #tpu.memory_space<vmem>>) target(%dma_start3A_451 : memref<256x128xf32, #tpu.memory_space<hbm>>) target_semaphore(%run_scoped3A : memref<!tpu.dma_semaphore, #tpu.memory_space<semaphore_mem>>)
      %dma_wait3A_452 = arith.constant 0 : i32
      %dma_wait3A_453 = tpu.memref_slice %arg4[%add3A_123, %dma_wait3A_452] : memref<106496x128xf32, #tpu.memory_space<hbm>> -> memref<256x128xf32, #tpu.memory_space<hbm>>
      %dma_wait3A_454 = arith.constant 0 : i32
      %dma_wait3A_455 = tpu.memref_slice %arg4[%add3A_123, %dma_wait3A_454] : memref<106496x128xf32, #tpu.memory_space<hbm>> -> memref<256x128xf32, #tpu.memory_space<hbm>>
      tpu.wait_dma2 semaphore(%run_scoped3A : memref<!tpu.dma_semaphore, #tpu.memory_space<semaphore_mem>>) src(%arg6 : memref<256x128xf32, #tpu.memory_space<vmem>>) dst(%dma_wait3A_455 : memref<256x128xf32, #tpu.memory_space<hbm>>)
      tpu.yield
    }) : () -> ()
    %dma_start3A_124 = arith.constant 0 : i32
    %dma_start3A_125 = arith.constant 0 : i32
    %dma_start3A_126 = tpu.memref_slice %arg6[%dma_start3A_124, %dma_start3A_125] : memref<256x128xf32, #tpu.memory_space<vmem>> -> memref<128x128xf32, #tpu.memory_space<vmem>>
    %dma_start3A_127 = arith.constant 1024 : i32
    %dma_start3A_128 = tpu.memref_slice %arg5[%dma_start3A_127] : memref<3328xi32, #tpu.memory_space<vmem>> -> memref<128xi32, #tpu.memory_space<vmem>>
    %dma_start3A_129 = arith.constant 0 : i32
    %dma_start3A_130 = arith.constant 0 : i32
    %dma_start3A_131 = tpu.memref_slice %arg3[%dma_start3A_129, %dma_start3A_130] : memref<2600000x128xf32, #tpu.memory_space<hbm>> -> memref<2600000x128xf32, #tpu.memory_space<hbm>>
    tpu.enqueue_indirect_dma source(%dma_start3A_131 : memref<2600000x128xf32, #tpu.memory_space<hbm>>) target(%dma_start3A_126 : memref<128x128xf32, #tpu.memory_space<vmem>>) offsets(%dma_start3A_128 : memref<128xi32, #tpu.memory_space<vmem>>) semaphore(%arg8 : memref<!tpu.dma_semaphore, #tpu.memory_space<semaphore_mem>>)
    %dma_start3A_132 = arith.constant 128 : i32
    %dma_start3A_133 = arith.constant 0 : i32
    %dma_start3A_134 = tpu.memref_slice %arg6[%dma_start3A_132, %dma_start3A_133] : memref<256x128xf32, #tpu.memory_space<vmem>> -> memref<128x128xf32, #tpu.memory_space<vmem>>
    %dma_start3A_135 = arith.constant 1152 : i32
    %dma_start3A_136 = tpu.memref_slice %arg5[%dma_start3A_135] : memref<3328xi32, #tpu.memory_space<vmem>> -> memref<128xi32, #tpu.memory_space<vmem>>
    %dma_start3A_137 = arith.constant 0 : i32
    %dma_start3A_138 = arith.constant 0 : i32
    %dma_start3A_139 = tpu.memref_slice %arg3[%dma_start3A_137, %dma_start3A_138] : memref<2600000x128xf32, #tpu.memory_space<hbm>> -> memref<2600000x128xf32, #tpu.memory_space<hbm>>
    tpu.enqueue_indirect_dma source(%dma_start3A_139 : memref<2600000x128xf32, #tpu.memory_space<hbm>>) target(%dma_start3A_134 : memref<128x128xf32, #tpu.memory_space<vmem>>) offsets(%dma_start3A_136 : memref<128xi32, #tpu.memory_space<vmem>>) semaphore(%arg8 : memref<!tpu.dma_semaphore, #tpu.memory_space<semaphore_mem>>)
    %dma_wait3A_140 = arith.constant 0 : i32
    %dma_wait3A_141 = arith.constant 0 : i32
    %dma_wait3A_142 = tpu.memref_slice %arg7[%dma_wait3A_140, %dma_wait3A_141] : memref<256x128xf32, #tpu.memory_space<vmem>> -> memref<128x128xf32, #tpu.memory_space<vmem>>
    %dma_wait3A_143 = arith.constant 768 : i32
    %dma_wait3A_144 = tpu.memref_slice %arg5[%dma_wait3A_143] : memref<3328xi32, #tpu.memory_space<vmem>> -> memref<128xi32, #tpu.memory_space<vmem>>
    %dma_wait3A_145 = arith.constant 0 : i32
    %dma_wait3A_146 = arith.constant 0 : i32
    %dma_wait3A_147 = tpu.memref_slice %arg3[%dma_wait3A_145, %dma_wait3A_146] : memref<2600000x128xf32, #tpu.memory_space<hbm>> -> memref<2600000x128xf32, #tpu.memory_space<hbm>>
    tpu.wait_indirect_dma semaphore(%arg9 : memref<!tpu.dma_semaphore, #tpu.memory_space<semaphore_mem>>) src(%dma_wait3A_147 : memref<2600000x128xf32, #tpu.memory_space<hbm>>) dst(%dma_wait3A_142 : memref<128x128xf32, #tpu.memory_space<vmem>>)
    %dma_wait3A_148 = arith.constant 128 : i32
    %dma_wait3A_149 = arith.constant 0 : i32
    %dma_wait3A_150 = tpu.memref_slice %arg7[%dma_wait3A_148, %dma_wait3A_149] : memref<256x128xf32, #tpu.memory_space<vmem>> -> memref<128x128xf32, #tpu.memory_space<vmem>>
    %dma_wait3A_151 = arith.constant 896 : i32
    %dma_wait3A_152 = tpu.memref_slice %arg5[%dma_wait3A_151] : memref<3328xi32, #tpu.memory_space<vmem>> -> memref<128xi32, #tpu.memory_space<vmem>>
    %dma_wait3A_153 = arith.constant 0 : i32
    %dma_wait3A_154 = arith.constant 0 : i32
    %dma_wait3A_155 = tpu.memref_slice %arg3[%dma_wait3A_153, %dma_wait3A_154] : memref<2600000x128xf32, #tpu.memory_space<hbm>> -> memref<2600000x128xf32, #tpu.memory_space<hbm>>
    tpu.wait_indirect_dma semaphore(%arg9 : memref<!tpu.dma_semaphore, #tpu.memory_space<semaphore_mem>>) src(%dma_wait3A_155 : memref<2600000x128xf32, #tpu.memory_space<hbm>>) dst(%dma_wait3A_150 : memref<128x128xf32, #tpu.memory_space<vmem>>)
    %add3A_156 = arith.constant 768 : i32
    %add3A_157 = arith.addi %mul3A_2, %add3A_156 : i32
    "tpu.region"() ({
      %run_scoped3A = tpu.sem_alloc : memref<!tpu.dma_semaphore, #tpu.memory_space<semaphore_mem>>
      %dma_start3A_448 = arith.constant 0 : i32
      %dma_start3A_449 = tpu.memref_slice %arg4[%add3A_157, %dma_start3A_448] : memref<106496x128xf32, #tpu.memory_space<hbm>> -> memref<256x128xf32, #tpu.memory_space<hbm>>
      %dma_start3A_450 = arith.constant 0 : i32
      %dma_start3A_451 = tpu.memref_slice %arg4[%add3A_157, %dma_start3A_450] : memref<106496x128xf32, #tpu.memory_space<hbm>> -> memref<256x128xf32, #tpu.memory_space<hbm>>
      tpu.enqueue_dma source(%arg7 : memref<256x128xf32, #tpu.memory_space<vmem>>) target(%dma_start3A_451 : memref<256x128xf32, #tpu.memory_space<hbm>>) target_semaphore(%run_scoped3A : memref<!tpu.dma_semaphore, #tpu.memory_space<semaphore_mem>>)
      %dma_wait3A_452 = arith.constant 0 : i32
      %dma_wait3A_453 = tpu.memref_slice %arg4[%add3A_157, %dma_wait3A_452] : memref<106496x128xf32, #tpu.memory_space<hbm>> -> memref<256x128xf32, #tpu.memory_space<hbm>>
      %dma_wait3A_454 = arith.constant 0 : i32
      %dma_wait3A_455 = tpu.memref_slice %arg4[%add3A_157, %dma_wait3A_454] : memref<106496x128xf32, #tpu.memory_space<hbm>> -> memref<256x128xf32, #tpu.memory_space<hbm>>
      tpu.wait_dma2 semaphore(%run_scoped3A : memref<!tpu.dma_semaphore, #tpu.memory_space<semaphore_mem>>) src(%arg7 : memref<256x128xf32, #tpu.memory_space<vmem>>) dst(%dma_wait3A_455 : memref<256x128xf32, #tpu.memory_space<hbm>>)
      tpu.yield
    }) : () -> ()
    %dma_start3A_158 = arith.constant 0 : i32
    %dma_start3A_159 = arith.constant 0 : i32
    %dma_start3A_160 = tpu.memref_slice %arg7[%dma_start3A_158, %dma_start3A_159] : memref<256x128xf32, #tpu.memory_space<vmem>> -> memref<128x128xf32, #tpu.memory_space<vmem>>
    %dma_start3A_161 = arith.constant 1280 : i32
    %dma_start3A_162 = tpu.memref_slice %arg5[%dma_start3A_161] : memref<3328xi32, #tpu.memory_space<vmem>> -> memref<128xi32, #tpu.memory_space<vmem>>
    %dma_start3A_163 = arith.constant 0 : i32
    %dma_start3A_164 = arith.constant 0 : i32
    %dma_start3A_165 = tpu.memref_slice %arg3[%dma_start3A_163, %dma_start3A_164] : memref<2600000x128xf32, #tpu.memory_space<hbm>> -> memref<2600000x128xf32, #tpu.memory_space<hbm>>
    tpu.enqueue_indirect_dma source(%dma_start3A_165 : memref<2600000x128xf32, #tpu.memory_space<hbm>>) target(%dma_start3A_160 : memref<128x128xf32, #tpu.memory_space<vmem>>) offsets(%dma_start3A_162 : memref<128xi32, #tpu.memory_space<vmem>>) semaphore(%arg9 : memref<!tpu.dma_semaphore, #tpu.memory_space<semaphore_mem>>)
    %dma_start3A_166 = arith.constant 128 : i32
    %dma_start3A_167 = arith.constant 0 : i32
    %dma_start3A_168 = tpu.memref_slice %arg7[%dma_start3A_166, %dma_start3A_167] : memref<256x128xf32, #tpu.memory_space<vmem>> -> memref<128x128xf32, #tpu.memory_space<vmem>>
    %dma_start3A_169 = arith.constant 1408 : i32
    %dma_start3A_170 = tpu.memref_slice %arg5[%dma_start3A_169] : memref<3328xi32, #tpu.memory_space<vmem>> -> memref<128xi32, #tpu.memory_space<vmem>>
    %dma_start3A_171 = arith.constant 0 : i32
    %dma_start3A_172 = arith.constant 0 : i32
    %dma_start3A_173 = tpu.memref_slice %arg3[%dma_start3A_171, %dma_start3A_172] : memref<2600000x128xf32, #tpu.memory_space<hbm>> -> memref<2600000x128xf32, #tpu.memory_space<hbm>>
    tpu.enqueue_indirect_dma source(%dma_start3A_173 : memref<2600000x128xf32, #tpu.memory_space<hbm>>) target(%dma_start3A_168 : memref<128x128xf32, #tpu.memory_space<vmem>>) offsets(%dma_start3A_170 : memref<128xi32, #tpu.memory_space<vmem>>) semaphore(%arg9 : memref<!tpu.dma_semaphore, #tpu.memory_space<semaphore_mem>>)
    %dma_wait3A_174 = arith.constant 0 : i32
    %dma_wait3A_175 = arith.constant 0 : i32
    %dma_wait3A_176 = tpu.memref_slice %arg6[%dma_wait3A_174, %dma_wait3A_175] : memref<256x128xf32, #tpu.memory_space<vmem>> -> memref<128x128xf32, #tpu.memory_space<vmem>>
    %dma_wait3A_177 = arith.constant 1024 : i32
    %dma_wait3A_178 = tpu.memref_slice %arg5[%dma_wait3A_177] : memref<3328xi32, #tpu.memory_space<vmem>> -> memref<128xi32, #tpu.memory_space<vmem>>
    %dma_wait3A_179 = arith.constant 0 : i32
    %dma_wait3A_180 = arith.constant 0 : i32
    %dma_wait3A_181 = tpu.memref_slice %arg3[%dma_wait3A_179, %dma_wait3A_180] : memref<2600000x128xf32, #tpu.memory_space<hbm>> -> memref<2600000x128xf32, #tpu.memory_space<hbm>>
    tpu.wait_indirect_dma semaphore(%arg8 : memref<!tpu.dma_semaphore, #tpu.memory_space<semaphore_mem>>) src(%dma_wait3A_181 : memref<2600000x128xf32, #tpu.memory_space<hbm>>) dst(%dma_wait3A_176 : memref<128x128xf32, #tpu.memory_space<vmem>>)
    %dma_wait3A_182 = arith.constant 128 : i32
    %dma_wait3A_183 = arith.constant 0 : i32
    %dma_wait3A_184 = tpu.memref_slice %arg6[%dma_wait3A_182, %dma_wait3A_183] : memref<256x128xf32, #tpu.memory_space<vmem>> -> memref<128x128xf32, #tpu.memory_space<vmem>>
    %dma_wait3A_185 = arith.constant 1152 : i32
    %dma_wait3A_186 = tpu.memref_slice %arg5[%dma_wait3A_185] : memref<3328xi32, #tpu.memory_space<vmem>> -> memref<128xi32, #tpu.memory_space<vmem>>
    %dma_wait3A_187 = arith.constant 0 : i32
    %dma_wait3A_188 = arith.constant 0 : i32
    %dma_wait3A_189 = tpu.memref_slice %arg3[%dma_wait3A_187, %dma_wait3A_188] : memref<2600000x128xf32, #tpu.memory_space<hbm>> -> memref<2600000x128xf32, #tpu.memory_space<hbm>>
    tpu.wait_indirect_dma semaphore(%arg8 : memref<!tpu.dma_semaphore, #tpu.memory_space<semaphore_mem>>) src(%dma_wait3A_189 : memref<2600000x128xf32, #tpu.memory_space<hbm>>) dst(%dma_wait3A_184 : memref<128x128xf32, #tpu.memory_space<vmem>>)
    %add3A_190 = arith.constant 1024 : i32
    %add3A_191 = arith.addi %mul3A_2, %add3A_190 : i32
    "tpu.region"() ({
      %run_scoped3A = tpu.sem_alloc : memref<!tpu.dma_semaphore, #tpu.memory_space<semaphore_mem>>
      %dma_start3A_448 = arith.constant 0 : i32
      %dma_start3A_449 = tpu.memref_slice %arg4[%add3A_191, %dma_start3A_448] : memref<106496x128xf32, #tpu.memory_space<hbm>> -> memref<256x128xf32, #tpu.memory_space<hbm>>
      %dma_start3A_450 = arith.constant 0 : i32
      %dma_start3A_451 = tpu.memref_slice %arg4[%add3A_191, %dma_start3A_450] : memref<106496x128xf32, #tpu.memory_space<hbm>> -> memref<256x128xf32, #tpu.memory_space<hbm>>
      tpu.enqueue_dma source(%arg6 : memref<256x128xf32, #tpu.memory_space<vmem>>) target(%dma_start3A_451 : memref<256x128xf32, #tpu.memory_space<hbm>>) target_semaphore(%run_scoped3A : memref<!tpu.dma_semaphore, #tpu.memory_space<semaphore_mem>>)
      %dma_wait3A_452 = arith.constant 0 : i32
      %dma_wait3A_453 = tpu.memref_slice %arg4[%add3A_191, %dma_wait3A_452] : memref<106496x128xf32, #tpu.memory_space<hbm>> -> memref<256x128xf32, #tpu.memory_space<hbm>>
      %dma_wait3A_454 = arith.constant 0 : i32
      %dma_wait3A_455 = tpu.memref_slice %arg4[%add3A_191, %dma_wait3A_454] : memref<106496x128xf32, #tpu.memory_space<hbm>> -> memref<256x128xf32, #tpu.memory_space<hbm>>
      tpu.wait_dma2 semaphore(%run_scoped3A : memref<!tpu.dma_semaphore, #tpu.memory_space<semaphore_mem>>) src(%arg6 : memref<256x128xf32, #tpu.memory_space<vmem>>) dst(%dma_wait3A_455 : memref<256x128xf32, #tpu.memory_space<hbm>>)
      tpu.yield
    }) : () -> ()
    %dma_start3A_192 = arith.constant 0 : i32
    %dma_start3A_193 = arith.constant 0 : i32
    %dma_start3A_194 = tpu.memref_slice %arg6[%dma_start3A_192, %dma_start3A_193] : memref<256x128xf32, #tpu.memory_space<vmem>> -> memref<128x128xf32, #tpu.memory_space<vmem>>
    %dma_start3A_195 = arith.constant 1536 : i32
    %dma_start3A_196 = tpu.memref_slice %arg5[%dma_start3A_195] : memref<3328xi32, #tpu.memory_space<vmem>> -> memref<128xi32, #tpu.memory_space<vmem>>
    %dma_start3A_197 = arith.constant 0 : i32
    %dma_start3A_198 = arith.constant 0 : i32
    %dma_start3A_199 = tpu.memref_slice %arg3[%dma_start3A_197, %dma_start3A_198] : memref<2600000x128xf32, #tpu.memory_space<hbm>> -> memref<2600000x128xf32, #tpu.memory_space<hbm>>
    tpu.enqueue_indirect_dma source(%dma_start3A_199 : memref<2600000x128xf32, #tpu.memory_space<hbm>>) target(%dma_start3A_194 : memref<128x128xf32, #tpu.memory_space<vmem>>) offsets(%dma_start3A_196 : memref<128xi32, #tpu.memory_space<vmem>>) semaphore(%arg8 : memref<!tpu.dma_semaphore, #tpu.memory_space<semaphore_mem>>)
    %dma_start3A_200 = arith.constant 128 : i32
    %dma_start3A_201 = arith.constant 0 : i32
    %dma_start3A_202 = tpu.memref_slice %arg6[%dma_start3A_200, %dma_start3A_201] : memref<256x128xf32, #tpu.memory_space<vmem>> -> memref<128x128xf32, #tpu.memory_space<vmem>>
    %dma_start3A_203 = arith.constant 1664 : i32
    %dma_start3A_204 = tpu.memref_slice %arg5[%dma_start3A_203] : memref<3328xi32, #tpu.memory_space<vmem>> -> memref<128xi32, #tpu.memory_space<vmem>>
    %dma_start3A_205 = arith.constant 0 : i32
    %dma_start3A_206 = arith.constant 0 : i32
    %dma_start3A_207 = tpu.memref_slice %arg3[%dma_start3A_205, %dma_start3A_206] : memref<2600000x128xf32, #tpu.memory_space<hbm>> -> memref<2600000x128xf32, #tpu.memory_space<hbm>>
    tpu.enqueue_indirect_dma source(%dma_start3A_207 : memref<2600000x128xf32, #tpu.memory_space<hbm>>) target(%dma_start3A_202 : memref<128x128xf32, #tpu.memory_space<vmem>>) offsets(%dma_start3A_204 : memref<128xi32, #tpu.memory_space<vmem>>) semaphore(%arg8 : memref<!tpu.dma_semaphore, #tpu.memory_space<semaphore_mem>>)
    %dma_wait3A_208 = arith.constant 0 : i32
    %dma_wait3A_209 = arith.constant 0 : i32
    %dma_wait3A_210 = tpu.memref_slice %arg7[%dma_wait3A_208, %dma_wait3A_209] : memref<256x128xf32, #tpu.memory_space<vmem>> -> memref<128x128xf32, #tpu.memory_space<vmem>>
    %dma_wait3A_211 = arith.constant 1280 : i32
    %dma_wait3A_212 = tpu.memref_slice %arg5[%dma_wait3A_211] : memref<3328xi32, #tpu.memory_space<vmem>> -> memref<128xi32, #tpu.memory_space<vmem>>
    %dma_wait3A_213 = arith.constant 0 : i32
    %dma_wait3A_214 = arith.constant 0 : i32
    %dma_wait3A_215 = tpu.memref_slice %arg3[%dma_wait3A_213, %dma_wait3A_214] : memref<2600000x128xf32, #tpu.memory_space<hbm>> -> memref<2600000x128xf32, #tpu.memory_space<hbm>>
    tpu.wait_indirect_dma semaphore(%arg9 : memref<!tpu.dma_semaphore, #tpu.memory_space<semaphore_mem>>) src(%dma_wait3A_215 : memref<2600000x128xf32, #tpu.memory_space<hbm>>) dst(%dma_wait3A_210 : memref<128x128xf32, #tpu.memory_space<vmem>>)
    %dma_wait3A_216 = arith.constant 128 : i32
    %dma_wait3A_217 = arith.constant 0 : i32
    %dma_wait3A_218 = tpu.memref_slice %arg7[%dma_wait3A_216, %dma_wait3A_217] : memref<256x128xf32, #tpu.memory_space<vmem>> -> memref<128x128xf32, #tpu.memory_space<vmem>>
    %dma_wait3A_219 = arith.constant 1408 : i32
    %dma_wait3A_220 = tpu.memref_slice %arg5[%dma_wait3A_219] : memref<3328xi32, #tpu.memory_space<vmem>> -> memref<128xi32, #tpu.memory_space<vmem>>
    %dma_wait3A_221 = arith.constant 0 : i32
    %dma_wait3A_222 = arith.constant 0 : i32
    %dma_wait3A_223 = tpu.memref_slice %arg3[%dma_wait3A_221, %dma_wait3A_222] : memref<2600000x128xf32, #tpu.memory_space<hbm>> -> memref<2600000x128xf32, #tpu.memory_space<hbm>>
    tpu.wait_indirect_dma semaphore(%arg9 : memref<!tpu.dma_semaphore, #tpu.memory_space<semaphore_mem>>) src(%dma_wait3A_223 : memref<2600000x128xf32, #tpu.memory_space<hbm>>) dst(%dma_wait3A_218 : memref<128x128xf32, #tpu.memory_space<vmem>>)
    %add3A_224 = arith.constant 1280 : i32
    %add3A_225 = arith.addi %mul3A_2, %add3A_224 : i32
    "tpu.region"() ({
      %run_scoped3A = tpu.sem_alloc : memref<!tpu.dma_semaphore, #tpu.memory_space<semaphore_mem>>
      %dma_start3A_448 = arith.constant 0 : i32
      %dma_start3A_449 = tpu.memref_slice %arg4[%add3A_225, %dma_start3A_448] : memref<106496x128xf32, #tpu.memory_space<hbm>> -> memref<256x128xf32, #tpu.memory_space<hbm>>
      %dma_start3A_450 = arith.constant 0 : i32
      %dma_start3A_451 = tpu.memref_slice %arg4[%add3A_225, %dma_start3A_450] : memref<106496x128xf32, #tpu.memory_space<hbm>> -> memref<256x128xf32, #tpu.memory_space<hbm>>
      tpu.enqueue_dma source(%arg7 : memref<256x128xf32, #tpu.memory_space<vmem>>) target(%dma_start3A_451 : memref<256x128xf32, #tpu.memory_space<hbm>>) target_semaphore(%run_scoped3A : memref<!tpu.dma_semaphore, #tpu.memory_space<semaphore_mem>>)
      %dma_wait3A_452 = arith.constant 0 : i32
      %dma_wait3A_453 = tpu.memref_slice %arg4[%add3A_225, %dma_wait3A_452] : memref<106496x128xf32, #tpu.memory_space<hbm>> -> memref<256x128xf32, #tpu.memory_space<hbm>>
      %dma_wait3A_454 = arith.constant 0 : i32
      %dma_wait3A_455 = tpu.memref_slice %arg4[%add3A_225, %dma_wait3A_454] : memref<106496x128xf32, #tpu.memory_space<hbm>> -> memref<256x128xf32, #tpu.memory_space<hbm>>
      tpu.wait_dma2 semaphore(%run_scoped3A : memref<!tpu.dma_semaphore, #tpu.memory_space<semaphore_mem>>) src(%arg7 : memref<256x128xf32, #tpu.memory_space<vmem>>) dst(%dma_wait3A_455 : memref<256x128xf32, #tpu.memory_space<hbm>>)
      tpu.yield
    }) : () -> ()
    %dma_start3A_226 = arith.constant 0 : i32
    %dma_start3A_227 = arith.constant 0 : i32
    %dma_start3A_228 = tpu.memref_slice %arg7[%dma_start3A_226, %dma_start3A_227] : memref<256x128xf32, #tpu.memory_space<vmem>> -> memref<128x128xf32, #tpu.memory_space<vmem>>
    %dma_start3A_229 = arith.constant 1792 : i32
    %dma_start3A_230 = tpu.memref_slice %arg5[%dma_start3A_229] : memref<3328xi32, #tpu.memory_space<vmem>> -> memref<128xi32, #tpu.memory_space<vmem>>
    %dma_start3A_231 = arith.constant 0 : i32
    %dma_start3A_232 = arith.constant 0 : i32
    %dma_start3A_233 = tpu.memref_slice %arg3[%dma_start3A_231, %dma_start3A_232] : memref<2600000x128xf32, #tpu.memory_space<hbm>> -> memref<2600000x128xf32, #tpu.memory_space<hbm>>
    tpu.enqueue_indirect_dma source(%dma_start3A_233 : memref<2600000x128xf32, #tpu.memory_space<hbm>>) target(%dma_start3A_228 : memref<128x128xf32, #tpu.memory_space<vmem>>) offsets(%dma_start3A_230 : memref<128xi32, #tpu.memory_space<vmem>>) semaphore(%arg9 : memref<!tpu.dma_semaphore, #tpu.memory_space<semaphore_mem>>)
    %dma_start3A_234 = arith.constant 128 : i32
    %dma_start3A_235 = arith.constant 0 : i32
    %dma_start3A_236 = tpu.memref_slice %arg7[%dma_start3A_234, %dma_start3A_235] : memref<256x128xf32, #tpu.memory_space<vmem>> -> memref<128x128xf32, #tpu.memory_space<vmem>>
    %dma_start3A_237 = arith.constant 1920 : i32
    %dma_start3A_238 = tpu.memref_slice %arg5[%dma_start3A_237] : memref<3328xi32, #tpu.memory_space<vmem>> -> memref<128xi32, #tpu.memory_space<vmem>>
    %dma_start3A_239 = arith.constant 0 : i32
    %dma_start3A_240 = arith.constant 0 : i32
    %dma_start3A_241 = tpu.memref_slice %arg3[%dma_start3A_239, %dma_start3A_240] : memref<2600000x128xf32, #tpu.memory_space<hbm>> -> memref<2600000x128xf32, #tpu.memory_space<hbm>>
    tpu.enqueue_indirect_dma source(%dma_start3A_241 : memref<2600000x128xf32, #tpu.memory_space<hbm>>) target(%dma_start3A_236 : memref<128x128xf32, #tpu.memory_space<vmem>>) offsets(%dma_start3A_238 : memref<128xi32, #tpu.memory_space<vmem>>) semaphore(%arg9 : memref<!tpu.dma_semaphore, #tpu.memory_space<semaphore_mem>>)
    %dma_wait3A_242 = arith.constant 0 : i32
    %dma_wait3A_243 = arith.constant 0 : i32
    %dma_wait3A_244 = tpu.memref_slice %arg6[%dma_wait3A_242, %dma_wait3A_243] : memref<256x128xf32, #tpu.memory_space<vmem>> -> memref<128x128xf32, #tpu.memory_space<vmem>>
    %dma_wait3A_245 = arith.constant 1536 : i32
    %dma_wait3A_246 = tpu.memref_slice %arg5[%dma_wait3A_245] : memref<3328xi32, #tpu.memory_space<vmem>> -> memref<128xi32, #tpu.memory_space<vmem>>
    %dma_wait3A_247 = arith.constant 0 : i32
    %dma_wait3A_248 = arith.constant 0 : i32
    %dma_wait3A_249 = tpu.memref_slice %arg3[%dma_wait3A_247, %dma_wait3A_248] : memref<2600000x128xf32, #tpu.memory_space<hbm>> -> memref<2600000x128xf32, #tpu.memory_space<hbm>>
    tpu.wait_indirect_dma semaphore(%arg8 : memref<!tpu.dma_semaphore, #tpu.memory_space<semaphore_mem>>) src(%dma_wait3A_249 : memref<2600000x128xf32, #tpu.memory_space<hbm>>) dst(%dma_wait3A_244 : memref<128x128xf32, #tpu.memory_space<vmem>>)
    %dma_wait3A_250 = arith.constant 128 : i32
    %dma_wait3A_251 = arith.constant 0 : i32
    %dma_wait3A_252 = tpu.memref_slice %arg6[%dma_wait3A_250, %dma_wait3A_251] : memref<256x128xf32, #tpu.memory_space<vmem>> -> memref<128x128xf32, #tpu.memory_space<vmem>>
    %dma_wait3A_253 = arith.constant 1664 : i32
    %dma_wait3A_254 = tpu.memref_slice %arg5[%dma_wait3A_253] : memref<3328xi32, #tpu.memory_space<vmem>> -> memref<128xi32, #tpu.memory_space<vmem>>
    %dma_wait3A_255 = arith.constant 0 : i32
    %dma_wait3A_256 = arith.constant 0 : i32
    %dma_wait3A_257 = tpu.memref_slice %arg3[%dma_wait3A_255, %dma_wait3A_256] : memref<2600000x128xf32, #tpu.memory_space<hbm>> -> memref<2600000x128xf32, #tpu.memory_space<hbm>>
    tpu.wait_indirect_dma semaphore(%arg8 : memref<!tpu.dma_semaphore, #tpu.memory_space<semaphore_mem>>) src(%dma_wait3A_257 : memref<2600000x128xf32, #tpu.memory_space<hbm>>) dst(%dma_wait3A_252 : memref<128x128xf32, #tpu.memory_space<vmem>>)
    %add3A_258 = arith.constant 1536 : i32
    %add3A_259 = arith.addi %mul3A_2, %add3A_258 : i32
    "tpu.region"() ({
      %run_scoped3A = tpu.sem_alloc : memref<!tpu.dma_semaphore, #tpu.memory_space<semaphore_mem>>
      %dma_start3A_448 = arith.constant 0 : i32
      %dma_start3A_449 = tpu.memref_slice %arg4[%add3A_259, %dma_start3A_448] : memref<106496x128xf32, #tpu.memory_space<hbm>> -> memref<256x128xf32, #tpu.memory_space<hbm>>
      %dma_start3A_450 = arith.constant 0 : i32
      %dma_start3A_451 = tpu.memref_slice %arg4[%add3A_259, %dma_start3A_450] : memref<106496x128xf32, #tpu.memory_space<hbm>> -> memref<256x128xf32, #tpu.memory_space<hbm>>
      tpu.enqueue_dma source(%arg6 : memref<256x128xf32, #tpu.memory_space<vmem>>) target(%dma_start3A_451 : memref<256x128xf32, #tpu.memory_space<hbm>>) target_semaphore(%run_scoped3A : memref<!tpu.dma_semaphore, #tpu.memory_space<semaphore_mem>>)
      %dma_wait3A_452 = arith.constant 0 : i32
      %dma_wait3A_453 = tpu.memref_slice %arg4[%add3A_259, %dma_wait3A_452] : memref<106496x128xf32, #tpu.memory_space<hbm>> -> memref<256x128xf32, #tpu.memory_space<hbm>>
      %dma_wait3A_454 = arith.constant 0 : i32
      %dma_wait3A_455 = tpu.memref_slice %arg4[%add3A_259, %dma_wait3A_454] : memref<106496x128xf32, #tpu.memory_space<hbm>> -> memref<256x128xf32, #tpu.memory_space<hbm>>
      tpu.wait_dma2 semaphore(%run_scoped3A : memref<!tpu.dma_semaphore, #tpu.memory_space<semaphore_mem>>) src(%arg6 : memref<256x128xf32, #tpu.memory_space<vmem>>) dst(%dma_wait3A_455 : memref<256x128xf32, #tpu.memory_space<hbm>>)
      tpu.yield
    }) : () -> ()
    %dma_start3A_260 = arith.constant 0 : i32
    %dma_start3A_261 = arith.constant 0 : i32
    %dma_start3A_262 = tpu.memref_slice %arg6[%dma_start3A_260, %dma_start3A_261] : memref<256x128xf32, #tpu.memory_space<vmem>> -> memref<128x128xf32, #tpu.memory_space<vmem>>
    %dma_start3A_263 = arith.constant 2048 : i32
    %dma_start3A_264 = tpu.memref_slice %arg5[%dma_start3A_263] : memref<3328xi32, #tpu.memory_space<vmem>> -> memref<128xi32, #tpu.memory_space<vmem>>
    %dma_start3A_265 = arith.constant 0 : i32
    %dma_start3A_266 = arith.constant 0 : i32
    %dma_start3A_267 = tpu.memref_slice %arg3[%dma_start3A_265, %dma_start3A_266] : memref<2600000x128xf32, #tpu.memory_space<hbm>> -> memref<2600000x128xf32, #tpu.memory_space<hbm>>
    tpu.enqueue_indirect_dma source(%dma_start3A_267 : memref<2600000x128xf32, #tpu.memory_space<hbm>>) target(%dma_start3A_262 : memref<128x128xf32, #tpu.memory_space<vmem>>) offsets(%dma_start3A_264 : memref<128xi32, #tpu.memory_space<vmem>>) semaphore(%arg8 : memref<!tpu.dma_semaphore, #tpu.memory_space<semaphore_mem>>)
    %dma_start3A_268 = arith.constant 128 : i32
    %dma_start3A_269 = arith.constant 0 : i32
    %dma_start3A_270 = tpu.memref_slice %arg6[%dma_start3A_268, %dma_start3A_269] : memref<256x128xf32, #tpu.memory_space<vmem>> -> memref<128x128xf32, #tpu.memory_space<vmem>>
    %dma_start3A_271 = arith.constant 2176 : i32
    %dma_start3A_272 = tpu.memref_slice %arg5[%dma_start3A_271] : memref<3328xi32, #tpu.memory_space<vmem>> -> memref<128xi32, #tpu.memory_space<vmem>>
    %dma_start3A_273 = arith.constant 0 : i32
    %dma_start3A_274 = arith.constant 0 : i32
    %dma_start3A_275 = tpu.memref_slice %arg3[%dma_start3A_273, %dma_start3A_274] : memref<2600000x128xf32, #tpu.memory_space<hbm>> -> memref<2600000x128xf32, #tpu.memory_space<hbm>>
    tpu.enqueue_indirect_dma source(%dma_start3A_275 : memref<2600000x128xf32, #tpu.memory_space<hbm>>) target(%dma_start3A_270 : memref<128x128xf32, #tpu.memory_space<vmem>>) offsets(%dma_start3A_272 : memref<128xi32, #tpu.memory_space<vmem>>) semaphore(%arg8 : memref<!tpu.dma_semaphore, #tpu.memory_space<semaphore_mem>>)
    %dma_wait3A_276 = arith.constant 0 : i32
    %dma_wait3A_277 = arith.constant 0 : i32
    %dma_wait3A_278 = tpu.memref_slice %arg7[%dma_wait3A_276, %dma_wait3A_277] : memref<256x128xf32, #tpu.memory_space<vmem>> -> memref<128x128xf32, #tpu.memory_space<vmem>>
    %dma_wait3A_279 = arith.constant 1792 : i32
    %dma_wait3A_280 = tpu.memref_slice %arg5[%dma_wait3A_279] : memref<3328xi32, #tpu.memory_space<vmem>> -> memref<128xi32, #tpu.memory_space<vmem>>
    %dma_wait3A_281 = arith.constant 0 : i32
    %dma_wait3A_282 = arith.constant 0 : i32
    %dma_wait3A_283 = tpu.memref_slice %arg3[%dma_wait3A_281, %dma_wait3A_282] : memref<2600000x128xf32, #tpu.memory_space<hbm>> -> memref<2600000x128xf32, #tpu.memory_space<hbm>>
    tpu.wait_indirect_dma semaphore(%arg9 : memref<!tpu.dma_semaphore, #tpu.memory_space<semaphore_mem>>) src(%dma_wait3A_283 : memref<2600000x128xf32, #tpu.memory_space<hbm>>) dst(%dma_wait3A_278 : memref<128x128xf32, #tpu.memory_space<vmem>>)
    %dma_wait3A_284 = arith.constant 128 : i32
    %dma_wait3A_285 = arith.constant 0 : i32
    %dma_wait3A_286 = tpu.memref_slice %arg7[%dma_wait3A_284, %dma_wait3A_285] : memref<256x128xf32, #tpu.memory_space<vmem>> -> memref<128x128xf32, #tpu.memory_space<vmem>>
    %dma_wait3A_287 = arith.constant 1920 : i32
    %dma_wait3A_288 = tpu.memref_slice %arg5[%dma_wait3A_287] : memref<3328xi32, #tpu.memory_space<vmem>> -> memref<128xi32, #tpu.memory_space<vmem>>
    %dma_wait3A_289 = arith.constant 0 : i32
    %dma_wait3A_290 = arith.constant 0 : i32
    %dma_wait3A_291 = tpu.memref_slice %arg3[%dma_wait3A_289, %dma_wait3A_290] : memref<2600000x128xf32, #tpu.memory_space<hbm>> -> memref<2600000x128xf32, #tpu.memory_space<hbm>>
    tpu.wait_indirect_dma semaphore(%arg9 : memref<!tpu.dma_semaphore, #tpu.memory_space<semaphore_mem>>) src(%dma_wait3A_291 : memref<2600000x128xf32, #tpu.memory_space<hbm>>) dst(%dma_wait3A_286 : memref<128x128xf32, #tpu.memory_space<vmem>>)
    %add3A_292 = arith.constant 1792 : i32
    %add3A_293 = arith.addi %mul3A_2, %add3A_292 : i32
    "tpu.region"() ({
      %run_scoped3A = tpu.sem_alloc : memref<!tpu.dma_semaphore, #tpu.memory_space<semaphore_mem>>
      %dma_start3A_448 = arith.constant 0 : i32
      %dma_start3A_449 = tpu.memref_slice %arg4[%add3A_293, %dma_start3A_448] : memref<106496x128xf32, #tpu.memory_space<hbm>> -> memref<256x128xf32, #tpu.memory_space<hbm>>
      %dma_start3A_450 = arith.constant 0 : i32
      %dma_start3A_451 = tpu.memref_slice %arg4[%add3A_293, %dma_start3A_450] : memref<106496x128xf32, #tpu.memory_space<hbm>> -> memref<256x128xf32, #tpu.memory_space<hbm>>
      tpu.enqueue_dma source(%arg7 : memref<256x128xf32, #tpu.memory_space<vmem>>) target(%dma_start3A_451 : memref<256x128xf32, #tpu.memory_space<hbm>>) target_semaphore(%run_scoped3A : memref<!tpu.dma_semaphore, #tpu.memory_space<semaphore_mem>>)
      %dma_wait3A_452 = arith.constant 0 : i32
      %dma_wait3A_453 = tpu.memref_slice %arg4[%add3A_293, %dma_wait3A_452] : memref<106496x128xf32, #tpu.memory_space<hbm>> -> memref<256x128xf32, #tpu.memory_space<hbm>>
      %dma_wait3A_454 = arith.constant 0 : i32
      %dma_wait3A_455 = tpu.memref_slice %arg4[%add3A_293, %dma_wait3A_454] : memref<106496x128xf32, #tpu.memory_space<hbm>> -> memref<256x128xf32, #tpu.memory_space<hbm>>
      tpu.wait_dma2 semaphore(%run_scoped3A : memref<!tpu.dma_semaphore, #tpu.memory_space<semaphore_mem>>) src(%arg7 : memref<256x128xf32, #tpu.memory_space<vmem>>) dst(%dma_wait3A_455 : memref<256x128xf32, #tpu.memory_space<hbm>>)
      tpu.yield
    }) : () -> ()
    %dma_start3A_294 = arith.constant 0 : i32
    %dma_start3A_295 = arith.constant 0 : i32
    %dma_start3A_296 = tpu.memref_slice %arg7[%dma_start3A_294, %dma_start3A_295] : memref<256x128xf32, #tpu.memory_space<vmem>> -> memref<128x128xf32, #tpu.memory_space<vmem>>
    %dma_start3A_297 = arith.constant 2304 : i32
    %dma_start3A_298 = tpu.memref_slice %arg5[%dma_start3A_297] : memref<3328xi32, #tpu.memory_space<vmem>> -> memref<128xi32, #tpu.memory_space<vmem>>
    %dma_start3A_299 = arith.constant 0 : i32
    %dma_start3A_300 = arith.constant 0 : i32
    %dma_start3A_301 = tpu.memref_slice %arg3[%dma_start3A_299, %dma_start3A_300] : memref<2600000x128xf32, #tpu.memory_space<hbm>> -> memref<2600000x128xf32, #tpu.memory_space<hbm>>
    tpu.enqueue_indirect_dma source(%dma_start3A_301 : memref<2600000x128xf32, #tpu.memory_space<hbm>>) target(%dma_start3A_296 : memref<128x128xf32, #tpu.memory_space<vmem>>) offsets(%dma_start3A_298 : memref<128xi32, #tpu.memory_space<vmem>>) semaphore(%arg9 : memref<!tpu.dma_semaphore, #tpu.memory_space<semaphore_mem>>)
    %dma_start3A_302 = arith.constant 128 : i32
    %dma_start3A_303 = arith.constant 0 : i32
    %dma_start3A_304 = tpu.memref_slice %arg7[%dma_start3A_302, %dma_start3A_303] : memref<256x128xf32, #tpu.memory_space<vmem>> -> memref<128x128xf32, #tpu.memory_space<vmem>>
    %dma_start3A_305 = arith.constant 2432 : i32
    %dma_start3A_306 = tpu.memref_slice %arg5[%dma_start3A_305] : memref<3328xi32, #tpu.memory_space<vmem>> -> memref<128xi32, #tpu.memory_space<vmem>>
    %dma_start3A_307 = arith.constant 0 : i32
    %dma_start3A_308 = arith.constant 0 : i32
    %dma_start3A_309 = tpu.memref_slice %arg3[%dma_start3A_307, %dma_start3A_308] : memref<2600000x128xf32, #tpu.memory_space<hbm>> -> memref<2600000x128xf32, #tpu.memory_space<hbm>>
    tpu.enqueue_indirect_dma source(%dma_start3A_309 : memref<2600000x128xf32, #tpu.memory_space<hbm>>) target(%dma_start3A_304 : memref<128x128xf32, #tpu.memory_space<vmem>>) offsets(%dma_start3A_306 : memref<128xi32, #tpu.memory_space<vmem>>) semaphore(%arg9 : memref<!tpu.dma_semaphore, #tpu.memory_space<semaphore_mem>>)
    %dma_wait3A_310 = arith.constant 0 : i32
    %dma_wait3A_311 = arith.constant 0 : i32
    %dma_wait3A_312 = tpu.memref_slice %arg6[%dma_wait3A_310, %dma_wait3A_311] : memref<256x128xf32, #tpu.memory_space<vmem>> -> memref<128x128xf32, #tpu.memory_space<vmem>>
    %dma_wait3A_313 = arith.constant 2048 : i32
    %dma_wait3A_314 = tpu.memref_slice %arg5[%dma_wait3A_313] : memref<3328xi32, #tpu.memory_space<vmem>> -> memref<128xi32, #tpu.memory_space<vmem>>
    %dma_wait3A_315 = arith.constant 0 : i32
    %dma_wait3A_316 = arith.constant 0 : i32
    %dma_wait3A_317 = tpu.memref_slice %arg3[%dma_wait3A_315, %dma_wait3A_316] : memref<2600000x128xf32, #tpu.memory_space<hbm>> -> memref<2600000x128xf32, #tpu.memory_space<hbm>>
    tpu.wait_indirect_dma semaphore(%arg8 : memref<!tpu.dma_semaphore, #tpu.memory_space<semaphore_mem>>) src(%dma_wait3A_317 : memref<2600000x128xf32, #tpu.memory_space<hbm>>) dst(%dma_wait3A_312 : memref<128x128xf32, #tpu.memory_space<vmem>>)
    %dma_wait3A_318 = arith.constant 128 : i32
    %dma_wait3A_319 = arith.constant 0 : i32
    %dma_wait3A_320 = tpu.memref_slice %arg6[%dma_wait3A_318, %dma_wait3A_319] : memref<256x128xf32, #tpu.memory_space<vmem>> -> memref<128x128xf32, #tpu.memory_space<vmem>>
    %dma_wait3A_321 = arith.constant 2176 : i32
    %dma_wait3A_322 = tpu.memref_slice %arg5[%dma_wait3A_321] : memref<3328xi32, #tpu.memory_space<vmem>> -> memref<128xi32, #tpu.memory_space<vmem>>
    %dma_wait3A_323 = arith.constant 0 : i32
    %dma_wait3A_324 = arith.constant 0 : i32
    %dma_wait3A_325 = tpu.memref_slice %arg3[%dma_wait3A_323, %dma_wait3A_324] : memref<2600000x128xf32, #tpu.memory_space<hbm>> -> memref<2600000x128xf32, #tpu.memory_space<hbm>>
    tpu.wait_indirect_dma semaphore(%arg8 : memref<!tpu.dma_semaphore, #tpu.memory_space<semaphore_mem>>) src(%dma_wait3A_325 : memref<2600000x128xf32, #tpu.memory_space<hbm>>) dst(%dma_wait3A_320 : memref<128x128xf32, #tpu.memory_space<vmem>>)
    %add3A_326 = arith.constant 2048 : i32
    %add3A_327 = arith.addi %mul3A_2, %add3A_326 : i32
    "tpu.region"() ({
      %run_scoped3A = tpu.sem_alloc : memref<!tpu.dma_semaphore, #tpu.memory_space<semaphore_mem>>
      %dma_start3A_448 = arith.constant 0 : i32
      %dma_start3A_449 = tpu.memref_slice %arg4[%add3A_327, %dma_start3A_448] : memref<106496x128xf32, #tpu.memory_space<hbm>> -> memref<256x128xf32, #tpu.memory_space<hbm>>
      %dma_start3A_450 = arith.constant 0 : i32
      %dma_start3A_451 = tpu.memref_slice %arg4[%add3A_327, %dma_start3A_450] : memref<106496x128xf32, #tpu.memory_space<hbm>> -> memref<256x128xf32, #tpu.memory_space<hbm>>
      tpu.enqueue_dma source(%arg6 : memref<256x128xf32, #tpu.memory_space<vmem>>) target(%dma_start3A_451 : memref<256x128xf32, #tpu.memory_space<hbm>>) target_semaphore(%run_scoped3A : memref<!tpu.dma_semaphore, #tpu.memory_space<semaphore_mem>>)
      %dma_wait3A_452 = arith.constant 0 : i32
      %dma_wait3A_453 = tpu.memref_slice %arg4[%add3A_327, %dma_wait3A_452] : memref<106496x128xf32, #tpu.memory_space<hbm>> -> memref<256x128xf32, #tpu.memory_space<hbm>>
      %dma_wait3A_454 = arith.constant 0 : i32
      %dma_wait3A_455 = tpu.memref_slice %arg4[%add3A_327, %dma_wait3A_454] : memref<106496x128xf32, #tpu.memory_space<hbm>> -> memref<256x128xf32, #tpu.memory_space<hbm>>
      tpu.wait_dma2 semaphore(%run_scoped3A : memref<!tpu.dma_semaphore, #tpu.memory_space<semaphore_mem>>) src(%arg6 : memref<256x128xf32, #tpu.memory_space<vmem>>) dst(%dma_wait3A_455 : memref<256x128xf32, #tpu.memory_space<hbm>>)
      tpu.yield
    }) : () -> ()
    %dma_start3A_328 = arith.constant 0 : i32
    %dma_start3A_329 = arith.constant 0 : i32
    %dma_start3A_330 = tpu.memref_slice %arg6[%dma_start3A_328, %dma_start3A_329] : memref<256x128xf32, #tpu.memory_space<vmem>> -> memref<128x128xf32, #tpu.memory_space<vmem>>
    %dma_start3A_331 = arith.constant 2560 : i32
    %dma_start3A_332 = tpu.memref_slice %arg5[%dma_start3A_331] : memref<3328xi32, #tpu.memory_space<vmem>> -> memref<128xi32, #tpu.memory_space<vmem>>
    %dma_start3A_333 = arith.constant 0 : i32
    %dma_start3A_334 = arith.constant 0 : i32
    %dma_start3A_335 = tpu.memref_slice %arg3[%dma_start3A_333, %dma_start3A_334] : memref<2600000x128xf32, #tpu.memory_space<hbm>> -> memref<2600000x128xf32, #tpu.memory_space<hbm>>
    tpu.enqueue_indirect_dma source(%dma_start3A_335 : memref<2600000x128xf32, #tpu.memory_space<hbm>>) target(%dma_start3A_330 : memref<128x128xf32, #tpu.memory_space<vmem>>) offsets(%dma_start3A_332 : memref<128xi32, #tpu.memory_space<vmem>>) semaphore(%arg8 : memref<!tpu.dma_semaphore, #tpu.memory_space<semaphore_mem>>)
    %dma_start3A_336 = arith.constant 128 : i32
    %dma_start3A_337 = arith.constant 0 : i32
    %dma_start3A_338 = tpu.memref_slice %arg6[%dma_start3A_336, %dma_start3A_337] : memref<256x128xf32, #tpu.memory_space<vmem>> -> memref<128x128xf32, #tpu.memory_space<vmem>>
    %dma_start3A_339 = arith.constant 2688 : i32
    %dma_start3A_340 = tpu.memref_slice %arg5[%dma_start3A_339] : memref<3328xi32, #tpu.memory_space<vmem>> -> memref<128xi32, #tpu.memory_space<vmem>>
    %dma_start3A_341 = arith.constant 0 : i32
    %dma_start3A_342 = arith.constant 0 : i32
    %dma_start3A_343 = tpu.memref_slice %arg3[%dma_start3A_341, %dma_start3A_342] : memref<2600000x128xf32, #tpu.memory_space<hbm>> -> memref<2600000x128xf32, #tpu.memory_space<hbm>>
    tpu.enqueue_indirect_dma source(%dma_start3A_343 : memref<2600000x128xf32, #tpu.memory_space<hbm>>) target(%dma_start3A_338 : memref<128x128xf32, #tpu.memory_space<vmem>>) offsets(%dma_start3A_340 : memref<128xi32, #tpu.memory_space<vmem>>) semaphore(%arg8 : memref<!tpu.dma_semaphore, #tpu.memory_space<semaphore_mem>>)
    %dma_wait3A_344 = arith.constant 0 : i32
    %dma_wait3A_345 = arith.constant 0 : i32
    %dma_wait3A_346 = tpu.memref_slice %arg7[%dma_wait3A_344, %dma_wait3A_345] : memref<256x128xf32, #tpu.memory_space<vmem>> -> memref<128x128xf32, #tpu.memory_space<vmem>>
    %dma_wait3A_347 = arith.constant 2304 : i32
    %dma_wait3A_348 = tpu.memref_slice %arg5[%dma_wait3A_347] : memref<3328xi32, #tpu.memory_space<vmem>> -> memref<128xi32, #tpu.memory_space<vmem>>
    %dma_wait3A_349 = arith.constant 0 : i32
    %dma_wait3A_350 = arith.constant 0 : i32
    %dma_wait3A_351 = tpu.memref_slice %arg3[%dma_wait3A_349, %dma_wait3A_350] : memref<2600000x128xf32, #tpu.memory_space<hbm>> -> memref<2600000x128xf32, #tpu.memory_space<hbm>>
    tpu.wait_indirect_dma semaphore(%arg9 : memref<!tpu.dma_semaphore, #tpu.memory_space<semaphore_mem>>) src(%dma_wait3A_351 : memref<2600000x128xf32, #tpu.memory_space<hbm>>) dst(%dma_wait3A_346 : memref<128x128xf32, #tpu.memory_space<vmem>>)
    %dma_wait3A_352 = arith.constant 128 : i32
    %dma_wait3A_353 = arith.constant 0 : i32
    %dma_wait3A_354 = tpu.memref_slice %arg7[%dma_wait3A_352, %dma_wait3A_353] : memref<256x128xf32, #tpu.memory_space<vmem>> -> memref<128x128xf32, #tpu.memory_space<vmem>>
    %dma_wait3A_355 = arith.constant 2432 : i32
    %dma_wait3A_356 = tpu.memref_slice %arg5[%dma_wait3A_355] : memref<3328xi32, #tpu.memory_space<vmem>> -> memref<128xi32, #tpu.memory_space<vmem>>
    %dma_wait3A_357 = arith.constant 0 : i32
    %dma_wait3A_358 = arith.constant 0 : i32
    %dma_wait3A_359 = tpu.memref_slice %arg3[%dma_wait3A_357, %dma_wait3A_358] : memref<2600000x128xf32, #tpu.memory_space<hbm>> -> memref<2600000x128xf32, #tpu.memory_space<hbm>>
    tpu.wait_indirect_dma semaphore(%arg9 : memref<!tpu.dma_semaphore, #tpu.memory_space<semaphore_mem>>) src(%dma_wait3A_359 : memref<2600000x128xf32, #tpu.memory_space<hbm>>) dst(%dma_wait3A_354 : memref<128x128xf32, #tpu.memory_space<vmem>>)
    %add3A_360 = arith.constant 2304 : i32
    %add3A_361 = arith.addi %mul3A_2, %add3A_360 : i32
    "tpu.region"() ({
      %run_scoped3A = tpu.sem_alloc : memref<!tpu.dma_semaphore, #tpu.memory_space<semaphore_mem>>
      %dma_start3A_448 = arith.constant 0 : i32
      %dma_start3A_449 = tpu.memref_slice %arg4[%add3A_361, %dma_start3A_448] : memref<106496x128xf32, #tpu.memory_space<hbm>> -> memref<256x128xf32, #tpu.memory_space<hbm>>
      %dma_start3A_450 = arith.constant 0 : i32
      %dma_start3A_451 = tpu.memref_slice %arg4[%add3A_361, %dma_start3A_450] : memref<106496x128xf32, #tpu.memory_space<hbm>> -> memref<256x128xf32, #tpu.memory_space<hbm>>
      tpu.enqueue_dma source(%arg7 : memref<256x128xf32, #tpu.memory_space<vmem>>) target(%dma_start3A_451 : memref<256x128xf32, #tpu.memory_space<hbm>>) target_semaphore(%run_scoped3A : memref<!tpu.dma_semaphore, #tpu.memory_space<semaphore_mem>>)
      %dma_wait3A_452 = arith.constant 0 : i32
      %dma_wait3A_453 = tpu.memref_slice %arg4[%add3A_361, %dma_wait3A_452] : memref<106496x128xf32, #tpu.memory_space<hbm>> -> memref<256x128xf32, #tpu.memory_space<hbm>>
      %dma_wait3A_454 = arith.constant 0 : i32
      %dma_wait3A_455 = tpu.memref_slice %arg4[%add3A_361, %dma_wait3A_454] : memref<106496x128xf32, #tpu.memory_space<hbm>> -> memref<256x128xf32, #tpu.memory_space<hbm>>
      tpu.wait_dma2 semaphore(%run_scoped3A : memref<!tpu.dma_semaphore, #tpu.memory_space<semaphore_mem>>) src(%arg7 : memref<256x128xf32, #tpu.memory_space<vmem>>) dst(%dma_wait3A_455 : memref<256x128xf32, #tpu.memory_space<hbm>>)
      tpu.yield
    }) : () -> ()
    %dma_start3A_362 = arith.constant 0 : i32
    %dma_start3A_363 = arith.constant 0 : i32
    %dma_start3A_364 = tpu.memref_slice %arg7[%dma_start3A_362, %dma_start3A_363] : memref<256x128xf32, #tpu.memory_space<vmem>> -> memref<128x128xf32, #tpu.memory_space<vmem>>
    %dma_start3A_365 = arith.constant 2816 : i32
    %dma_start3A_366 = tpu.memref_slice %arg5[%dma_start3A_365] : memref<3328xi32, #tpu.memory_space<vmem>> -> memref<128xi32, #tpu.memory_space<vmem>>
    %dma_start3A_367 = arith.constant 0 : i32
    %dma_start3A_368 = arith.constant 0 : i32
    %dma_start3A_369 = tpu.memref_slice %arg3[%dma_start3A_367, %dma_start3A_368] : memref<2600000x128xf32, #tpu.memory_space<hbm>> -> memref<2600000x128xf32, #tpu.memory_space<hbm>>
    tpu.enqueue_indirect_dma source(%dma_start3A_369 : memref<2600000x128xf32, #tpu.memory_space<hbm>>) target(%dma_start3A_364 : memref<128x128xf32, #tpu.memory_space<vmem>>) offsets(%dma_start3A_366 : memref<128xi32, #tpu.memory_space<vmem>>) semaphore(%arg9 : memref<!tpu.dma_semaphore, #tpu.memory_space<semaphore_mem>>)
    %dma_start3A_370 = arith.constant 128 : i32
    %dma_start3A_371 = arith.constant 0 : i32
    %dma_start3A_372 = tpu.memref_slice %arg7[%dma_start3A_370, %dma_start3A_371] : memref<256x128xf32, #tpu.memory_space<vmem>> -> memref<128x128xf32, #tpu.memory_space<vmem>>
    %dma_start3A_373 = arith.constant 2944 : i32
    %dma_start3A_374 = tpu.memref_slice %arg5[%dma_start3A_373] : memref<3328xi32, #tpu.memory_space<vmem>> -> memref<128xi32, #tpu.memory_space<vmem>>
    %dma_start3A_375 = arith.constant 0 : i32
    %dma_start3A_376 = arith.constant 0 : i32
    %dma_start3A_377 = tpu.memref_slice %arg3[%dma_start3A_375, %dma_start3A_376] : memref<2600000x128xf32, #tpu.memory_space<hbm>> -> memref<2600000x128xf32, #tpu.memory_space<hbm>>
    tpu.enqueue_indirect_dma source(%dma_start3A_377 : memref<2600000x128xf32, #tpu.memory_space<hbm>>) target(%dma_start3A_372 : memref<128x128xf32, #tpu.memory_space<vmem>>) offsets(%dma_start3A_374 : memref<128xi32, #tpu.memory_space<vmem>>) semaphore(%arg9 : memref<!tpu.dma_semaphore, #tpu.memory_space<semaphore_mem>>)
    %dma_wait3A_378 = arith.constant 0 : i32
    %dma_wait3A_379 = arith.constant 0 : i32
    %dma_wait3A_380 = tpu.memref_slice %arg6[%dma_wait3A_378, %dma_wait3A_379] : memref<256x128xf32, #tpu.memory_space<vmem>> -> memref<128x128xf32, #tpu.memory_space<vmem>>
    %dma_wait3A_381 = arith.constant 2560 : i32
    %dma_wait3A_382 = tpu.memref_slice %arg5[%dma_wait3A_381] : memref<3328xi32, #tpu.memory_space<vmem>> -> memref<128xi32, #tpu.memory_space<vmem>>
    %dma_wait3A_383 = arith.constant 0 : i32
    %dma_wait3A_384 = arith.constant 0 : i32
    %dma_wait3A_385 = tpu.memref_slice %arg3[%dma_wait3A_383, %dma_wait3A_384] : memref<2600000x128xf32, #tpu.memory_space<hbm>> -> memref<2600000x128xf32, #tpu.memory_space<hbm>>
    tpu.wait_indirect_dma semaphore(%arg8 : memref<!tpu.dma_semaphore, #tpu.memory_space<semaphore_mem>>) src(%dma_wait3A_385 : memref<2600000x128xf32, #tpu.memory_space<hbm>>) dst(%dma_wait3A_380 : memref<128x128xf32, #tpu.memory_space<vmem>>)
    %dma_wait3A_386 = arith.constant 128 : i32
    %dma_wait3A_387 = arith.constant 0 : i32
    %dma_wait3A_388 = tpu.memref_slice %arg6[%dma_wait3A_386, %dma_wait3A_387] : memref<256x128xf32, #tpu.memory_space<vmem>> -> memref<128x128xf32, #tpu.memory_space<vmem>>
    %dma_wait3A_389 = arith.constant 2688 : i32
    %dma_wait3A_390 = tpu.memref_slice %arg5[%dma_wait3A_389] : memref<3328xi32, #tpu.memory_space<vmem>> -> memref<128xi32, #tpu.memory_space<vmem>>
    %dma_wait3A_391 = arith.constant 0 : i32
    %dma_wait3A_392 = arith.constant 0 : i32
    %dma_wait3A_393 = tpu.memref_slice %arg3[%dma_wait3A_391, %dma_wait3A_392] : memref<2600000x128xf32, #tpu.memory_space<hbm>> -> memref<2600000x128xf32, #tpu.memory_space<hbm>>
    tpu.wait_indirect_dma semaphore(%arg8 : memref<!tpu.dma_semaphore, #tpu.memory_space<semaphore_mem>>) src(%dma_wait3A_393 : memref<2600000x128xf32, #tpu.memory_space<hbm>>) dst(%dma_wait3A_388 : memref<128x128xf32, #tpu.memory_space<vmem>>)
    %add3A_394 = arith.constant 2560 : i32
    %add3A_395 = arith.addi %mul3A_2, %add3A_394 : i32
    "tpu.region"() ({
      %run_scoped3A = tpu.sem_alloc : memref<!tpu.dma_semaphore, #tpu.memory_space<semaphore_mem>>
      %dma_start3A_448 = arith.constant 0 : i32
      %dma_start3A_449 = tpu.memref_slice %arg4[%add3A_395, %dma_start3A_448] : memref<106496x128xf32, #tpu.memory_space<hbm>> -> memref<256x128xf32, #tpu.memory_space<hbm>>
      %dma_start3A_450 = arith.constant 0 : i32
      %dma_start3A_451 = tpu.memref_slice %arg4[%add3A_395, %dma_start3A_450] : memref<106496x128xf32, #tpu.memory_space<hbm>> -> memref<256x128xf32, #tpu.memory_space<hbm>>
      tpu.enqueue_dma source(%arg6 : memref<256x128xf32, #tpu.memory_space<vmem>>) target(%dma_start3A_451 : memref<256x128xf32, #tpu.memory_space<hbm>>) target_semaphore(%run_scoped3A : memref<!tpu.dma_semaphore, #tpu.memory_space<semaphore_mem>>)
      %dma_wait3A_452 = arith.constant 0 : i32
      %dma_wait3A_453 = tpu.memref_slice %arg4[%add3A_395, %dma_wait3A_452] : memref<106496x128xf32, #tpu.memory_space<hbm>> -> memref<256x128xf32, #tpu.memory_space<hbm>>
      %dma_wait3A_454 = arith.constant 0 : i32
      %dma_wait3A_455 = tpu.memref_slice %arg4[%add3A_395, %dma_wait3A_454] : memref<106496x128xf32, #tpu.memory_space<hbm>> -> memref<256x128xf32, #tpu.memory_space<hbm>>
      tpu.wait_dma2 semaphore(%run_scoped3A : memref<!tpu.dma_semaphore, #tpu.memory_space<semaphore_mem>>) src(%arg6 : memref<256x128xf32, #tpu.memory_space<vmem>>) dst(%dma_wait3A_455 : memref<256x128xf32, #tpu.memory_space<hbm>>)
      tpu.yield
    }) : () -> ()
    %dma_start3A_396 = arith.constant 0 : i32
    %dma_start3A_397 = arith.constant 0 : i32
    %dma_start3A_398 = tpu.memref_slice %arg6[%dma_start3A_396, %dma_start3A_397] : memref<256x128xf32, #tpu.memory_space<vmem>> -> memref<128x128xf32, #tpu.memory_space<vmem>>
    %dma_start3A_399 = arith.constant 3072 : i32
    %dma_start3A_400 = tpu.memref_slice %arg5[%dma_start3A_399] : memref<3328xi32, #tpu.memory_space<vmem>> -> memref<128xi32, #tpu.memory_space<vmem>>
    %dma_start3A_401 = arith.constant 0 : i32
    %dma_start3A_402 = arith.constant 0 : i32
    %dma_start3A_403 = tpu.memref_slice %arg3[%dma_start3A_401, %dma_start3A_402] : memref<2600000x128xf32, #tpu.memory_space<hbm>> -> memref<2600000x128xf32, #tpu.memory_space<hbm>>
    tpu.enqueue_indirect_dma source(%dma_start3A_403 : memref<2600000x128xf32, #tpu.memory_space<hbm>>) target(%dma_start3A_398 : memref<128x128xf32, #tpu.memory_space<vmem>>) offsets(%dma_start3A_400 : memref<128xi32, #tpu.memory_space<vmem>>) semaphore(%arg8 : memref<!tpu.dma_semaphore, #tpu.memory_space<semaphore_mem>>)
    %dma_start3A_404 = arith.constant 128 : i32
    %dma_start3A_405 = arith.constant 0 : i32
    %dma_start3A_406 = tpu.memref_slice %arg6[%dma_start3A_404, %dma_start3A_405] : memref<256x128xf32, #tpu.memory_space<vmem>> -> memref<128x128xf32, #tpu.memory_space<vmem>>
    %dma_start3A_407 = arith.constant 3200 : i32
    %dma_start3A_408 = tpu.memref_slice %arg5[%dma_start3A_407] : memref<3328xi32, #tpu.memory_space<vmem>> -> memref<128xi32, #tpu.memory_space<vmem>>
    %dma_start3A_409 = arith.constant 0 : i32
    %dma_start3A_410 = arith.constant 0 : i32
    %dma_start3A_411 = tpu.memref_slice %arg3[%dma_start3A_409, %dma_start3A_410] : memref<2600000x128xf32, #tpu.memory_space<hbm>> -> memref<2600000x128xf32, #tpu.memory_space<hbm>>
    tpu.enqueue_indirect_dma source(%dma_start3A_411 : memref<2600000x128xf32, #tpu.memory_space<hbm>>) target(%dma_start3A_406 : memref<128x128xf32, #tpu.memory_space<vmem>>) offsets(%dma_start3A_408 : memref<128xi32, #tpu.memory_space<vmem>>) semaphore(%arg8 : memref<!tpu.dma_semaphore, #tpu.memory_space<semaphore_mem>>)
    %dma_wait3A_412 = arith.constant 0 : i32
    %dma_wait3A_413 = arith.constant 0 : i32
    %dma_wait3A_414 = tpu.memref_slice %arg7[%dma_wait3A_412, %dma_wait3A_413] : memref<256x128xf32, #tpu.memory_space<vmem>> -> memref<128x128xf32, #tpu.memory_space<vmem>>
    %dma_wait3A_415 = arith.constant 2816 : i32
    %dma_wait3A_416 = tpu.memref_slice %arg5[%dma_wait3A_415] : memref<3328xi32, #tpu.memory_space<vmem>> -> memref<128xi32, #tpu.memory_space<vmem>>
    %dma_wait3A_417 = arith.constant 0 : i32
    %dma_wait3A_418 = arith.constant 0 : i32
    %dma_wait3A_419 = tpu.memref_slice %arg3[%dma_wait3A_417, %dma_wait3A_418] : memref<2600000x128xf32, #tpu.memory_space<hbm>> -> memref<2600000x128xf32, #tpu.memory_space<hbm>>
    tpu.wait_indirect_dma semaphore(%arg9 : memref<!tpu.dma_semaphore, #tpu.memory_space<semaphore_mem>>) src(%dma_wait3A_419 : memref<2600000x128xf32, #tpu.memory_space<hbm>>) dst(%dma_wait3A_414 : memref<128x128xf32, #tpu.memory_space<vmem>>)
    %dma_wait3A_420 = arith.constant 128 : i32
    %dma_wait3A_421 = arith.constant 0 : i32
    %dma_wait3A_422 = tpu.memref_slice %arg7[%dma_wait3A_420, %dma_wait3A_421] : memref<256x128xf32, #tpu.memory_space<vmem>> -> memref<128x128xf32, #tpu.memory_space<vmem>>
    %dma_wait3A_423 = arith.constant 2944 : i32
    %dma_wait3A_424 = tpu.memref_slice %arg5[%dma_wait3A_423] : memref<3328xi32, #tpu.memory_space<vmem>> -> memref<128xi32, #tpu.memory_space<vmem>>
    %dma_wait3A_425 = arith.constant 0 : i32
    %dma_wait3A_426 = arith.constant 0 : i32
    %dma_wait3A_427 = tpu.memref_slice %arg3[%dma_wait3A_425, %dma_wait3A_426] : memref<2600000x128xf32, #tpu.memory_space<hbm>> -> memref<2600000x128xf32, #tpu.memory_space<hbm>>
    tpu.wait_indirect_dma semaphore(%arg9 : memref<!tpu.dma_semaphore, #tpu.memory_space<semaphore_mem>>) src(%dma_wait3A_427 : memref<2600000x128xf32, #tpu.memory_space<hbm>>) dst(%dma_wait3A_422 : memref<128x128xf32, #tpu.memory_space<vmem>>)
    %add3A_428 = arith.constant 2816 : i32
    %add3A_429 = arith.addi %mul3A_2, %add3A_428 : i32
    "tpu.region"() ({
      %run_scoped3A = tpu.sem_alloc : memref<!tpu.dma_semaphore, #tpu.memory_space<semaphore_mem>>
      %dma_start3A_448 = arith.constant 0 : i32
      %dma_start3A_449 = tpu.memref_slice %arg4[%add3A_429, %dma_start3A_448] : memref<106496x128xf32, #tpu.memory_space<hbm>> -> memref<256x128xf32, #tpu.memory_space<hbm>>
      %dma_start3A_450 = arith.constant 0 : i32
      %dma_start3A_451 = tpu.memref_slice %arg4[%add3A_429, %dma_start3A_450] : memref<106496x128xf32, #tpu.memory_space<hbm>> -> memref<256x128xf32, #tpu.memory_space<hbm>>
      tpu.enqueue_dma source(%arg7 : memref<256x128xf32, #tpu.memory_space<vmem>>) target(%dma_start3A_451 : memref<256x128xf32, #tpu.memory_space<hbm>>) target_semaphore(%run_scoped3A : memref<!tpu.dma_semaphore, #tpu.memory_space<semaphore_mem>>)
      %dma_wait3A_452 = arith.constant 0 : i32
      %dma_wait3A_453 = tpu.memref_slice %arg4[%add3A_429, %dma_wait3A_452] : memref<106496x128xf32, #tpu.memory_space<hbm>> -> memref<256x128xf32, #tpu.memory_space<hbm>>
      %dma_wait3A_454 = arith.constant 0 : i32
      %dma_wait3A_455 = tpu.memref_slice %arg4[%add3A_429, %dma_wait3A_454] : memref<106496x128xf32, #tpu.memory_space<hbm>> -> memref<256x128xf32, #tpu.memory_space<hbm>>
      tpu.wait_dma2 semaphore(%run_scoped3A : memref<!tpu.dma_semaphore, #tpu.memory_space<semaphore_mem>>) src(%arg7 : memref<256x128xf32, #tpu.memory_space<vmem>>) dst(%dma_wait3A_455 : memref<256x128xf32, #tpu.memory_space<hbm>>)
      tpu.yield
    }) : () -> ()
    %dma_wait3A_430 = arith.constant 0 : i32
    %dma_wait3A_431 = arith.constant 0 : i32
    %dma_wait3A_432 = tpu.memref_slice %arg6[%dma_wait3A_430, %dma_wait3A_431] : memref<256x128xf32, #tpu.memory_space<vmem>> -> memref<128x128xf32, #tpu.memory_space<vmem>>
    %dma_wait3A_433 = arith.constant 3072 : i32
    %dma_wait3A_434 = tpu.memref_slice %arg5[%dma_wait3A_433] : memref<3328xi32, #tpu.memory_space<vmem>> -> memref<128xi32, #tpu.memory_space<vmem>>
    %dma_wait3A_435 = arith.constant 0 : i32
    %dma_wait3A_436 = arith.constant 0 : i32
    %dma_wait3A_437 = tpu.memref_slice %arg3[%dma_wait3A_435, %dma_wait3A_436] : memref<2600000x128xf32, #tpu.memory_space<hbm>> -> memref<2600000x128xf32, #tpu.memory_space<hbm>>
    tpu.wait_indirect_dma semaphore(%arg8 : memref<!tpu.dma_semaphore, #tpu.memory_space<semaphore_mem>>) src(%dma_wait3A_437 : memref<2600000x128xf32, #tpu.memory_space<hbm>>) dst(%dma_wait3A_432 : memref<128x128xf32, #tpu.memory_space<vmem>>)
    %dma_wait3A_438 = arith.constant 128 : i32
    %dma_wait3A_439 = arith.constant 0 : i32
    %dma_wait3A_440 = tpu.memref_slice %arg6[%dma_wait3A_438, %dma_wait3A_439] : memref<256x128xf32, #tpu.memory_space<vmem>> -> memref<128x128xf32, #tpu.memory_space<vmem>>
    %dma_wait3A_441 = arith.constant 3200 : i32
    %dma_wait3A_442 = tpu.memref_slice %arg5[%dma_wait3A_441] : memref<3328xi32, #tpu.memory_space<vmem>> -> memref<128xi32, #tpu.memory_space<vmem>>
    %dma_wait3A_443 = arith.constant 0 : i32
    %dma_wait3A_444 = arith.constant 0 : i32
    %dma_wait3A_445 = tpu.memref_slice %arg3[%dma_wait3A_443, %dma_wait3A_444] : memref<2600000x128xf32, #tpu.memory_space<hbm>> -> memref<2600000x128xf32, #tpu.memory_space<hbm>>
    tpu.wait_indirect_dma semaphore(%arg8 : memref<!tpu.dma_semaphore, #tpu.memory_space<semaphore_mem>>) src(%dma_wait3A_445 : memref<2600000x128xf32, #tpu.memory_space<hbm>>) dst(%dma_wait3A_440 : memref<128x128xf32, #tpu.memory_space<vmem>>)
    %add3A_446 = arith.constant 3072 : i32
    %add3A_447 = arith.addi %mul3A_2, %add3A_446 : i32
    "tpu.region"() ({
      %run_scoped3A = tpu.sem_alloc : memref<!tpu.dma_semaphore, #tpu.memory_space<semaphore_mem>>
      %dma_start3A_448 = arith.constant 0 : i32
      %dma_start3A_449 = tpu.memref_slice %arg4[%add3A_447, %dma_start3A_448] : memref<106496x128xf32, #tpu.memory_space<hbm>> -> memref<256x128xf32, #tpu.memory_space<hbm>>
      %dma_start3A_450 = arith.constant 0 : i32
      %dma_start3A_451 = tpu.memref_slice %arg4[%add3A_447, %dma_start3A_450] : memref<106496x128xf32, #tpu.memory_space<hbm>> -> memref<256x128xf32, #tpu.memory_space<hbm>>
      tpu.enqueue_dma source(%arg6 : memref<256x128xf32, #tpu.memory_space<vmem>>) target(%dma_start3A_451 : memref<256x128xf32, #tpu.memory_space<hbm>>) target_semaphore(%run_scoped3A : memref<!tpu.dma_semaphore, #tpu.memory_space<semaphore_mem>>)
      %dma_wait3A_452 = arith.constant 0 : i32
      %dma_wait3A_453 = tpu.memref_slice %arg4[%add3A_447, %dma_wait3A_452] : memref<106496x128xf32, #tpu.memory_space<hbm>> -> memref<256x128xf32, #tpu.memory_space<hbm>>
      %dma_wait3A_454 = arith.constant 0 : i32
      %dma_wait3A_455 = tpu.memref_slice %arg4[%add3A_447, %dma_wait3A_454] : memref<106496x128xf32, #tpu.memory_space<hbm>> -> memref<256x128xf32, #tpu.memory_space<hbm>>
      tpu.wait_dma2 semaphore(%run_scoped3A : memref<!tpu.dma_semaphore, #tpu.memory_space<semaphore_mem>>) src(%arg6 : memref<256x128xf32, #tpu.memory_space<vmem>>) dst(%dma_wait3A_455 : memref<256x128xf32, #tpu.memory_space<hbm>>)
      tpu.yield
    }) : () -> ()
    return
  }
}

</mosaic_0001>

<sc_bundles>
// kernel: kernel.3.cloned.1.call-start
scs
__scs_entry_jumppad:
0x0: {  	(pc) =	sbr.rel $0x88, $3  }
0x1: {  	(tag) =	ssettag $0x0;
	lr =	simm.s32 $0x1  }
0x2: {  	[smem:$0x3F9F] =	sst lr;
	_ =	strace $0xD0000000  }
0x3: {  	_ = 	snop  }
0x4: {  	_ = 	snop  }
0x5: {  	_ = 	snop  }
0x6: {  	_ = 	snop  }
0x7: {  	_ = 	snop  }
__scs_overlays_trampoline_lowered:
0x8: {  	[smem:$0x3FAE] =	sst s0  }
0x9: {  	[smem:$0x3FAF] =	sst s1  }
0xa: {  	[smem:$0x3FB0] =	sst s2  }
0xb: {  	[smem:$0x3FB1] =	sst s3  }
0xc: {  	[smem:$0x3FB2] =	sst s4  }
0xd: {  	[smem:$0x3FB3] =	sst s5  }
0xe: {  	[smem:$0x3FB4] =	sst s6  }
0xf: {  	[smem:$0x3FB5] =	sst s7  }
0x10: {  	[smem:$0x3FB6] =	sst s8  }
0x11: {  	[smem:$0x3FB7] =	sst s9;
	s0 =	simm.s32 @!p0 $0x0  }
0x12: {  	s1 =	sld [smem:$0x3F9D];
	s0 =	simm.s32 @p0 $0x1  }
0x13: {  	[smem:$0x3FB8] =	sst s0;
	s0 =	simm.s32 @!p1 $0x0  }
0x14: {  	s2 =	sld [smem:$0x3F9C];
	s0 =	simm.s32 @p1 $0x1  }
0x15: {  	[smem:$0x3FB9] =	sst s0;
	s0 =	simm.s32 @!p2 $0x0  }
0x16: {  	s3 =	sld [smem:$0x3FDB];
	s0 =	simm.s32 @p2 $0x1  }
0x17: {  	s4 =	simm.s32 $0x1BF5;
	[smem:$0x3FBB] =	sst s0  }
0x18: {  	s0 =	sld [smem:$0x3F9E];
	_ =	swait.ge [sflag:s4], $0x0  }
0x19: {  	s7 =	sld [smem:$0x3F9F]  }
0x1a: {  	s8 =	sadd.s32 $0xFFFFE003, lr  }
0x1b: {  	s9 =	sadd.s32 $0xFFFFFEF7, lr;
	s5 =	simm.s32 $0xFFFFFFFF;
	p2 =	slt.u32 s8, $0xFFFFF086  }
0x1c: {  	p1 =	slt.u32 s9, $0xF7A;
	s5 =	simm.s32 @!p2 $0x0  }
0x1d: {  	s5 =	simm.s32 @p1 $0x1;
	p0 =	seq.s32 s7, s2  }
0x1e: {  	s7 =	smul.u32 @!p0 $0xF7A, s2;
	p2 =	seq.s32 @!p0 s5, $0x0  }
0x1f: {  	s9 =	smul.u32 $0xF7A, s1;
	s8 =	simm.s32 @!p0 $0x1BF5;
	p2 =	por !p2, p0  }
0x20: {  	[sflag:s8] =	ssyncset.s32 @!p0 $0xFFFFF086;
	s6 =	sadd.s32 @!p0 s3, s7;
	s7 =	simm.s32 @!p0 $0x108  }
0x21: {  	s3 =	sadd.s32 s3, s9;
	s6 =	sadd.s32 @!p0 $0x88, s6;
	s7 =	simm.s32 @p2 $0x1082  }
0x22: {  	[simem:s7], [sflag:s8] =	dma.local @!p0 [hbm:s6], $0xF7A  }
0x23: {  	s9 =	sor.u32 $0xD0000000, s2;
	s6 =	simm.s32 $0x108;
	_ =	swait.ge @!p0 [sflag:s8], $0x0  }
0x24: {  	s3 =	sadd.s32 $0x88, s3;
	s6 =	simm.s32 @!p1 $0x1082;
	[sflag:s4] =	ssyncset.s32 $0xFFFFF086  }
0x25: {  	[simem:s6], [sflag:s4] =	dma.local [hbm:s3], $0xF7A  }
0x26: {  	[smem:$0x3F9F] =	sst s1;
	(tag) =	ssettag s2;
	_ =	strace s9  }
0x27: {  	s1 =	sld [smem:$0x3FAF]  }
0x28: {  	s2 =	sld [smem:$0x3FB0]  }
0x29: {  	s4 =	sld [smem:$0x3FB2]  }
0x2a: {  	p0 =	seq.s32 s5, $0x0;
	s5 =	sld [smem:$0x3FB3]  }
0x2b: {  	s6 =	sld [smem:$0x3FB4]  }
0x2c: {  	s7 =	sld [smem:$0x3FB5]  }
0x2d: {  	s3 =	simm.s32 $0x108;
	s8 =	sld [smem:$0x3FB6]  }
0x2e: {  	s3 =	simm.s32 @!p0 $0x1082;
	s9 =	sld [smem:$0x3FB7]  }
0x2f: {  	lr =	sadd.s32 s0, s3;
	s0 =	sld [smem:$0x3FAE]  }
0x30: {  	s3 =	sld [smem:$0x3FB1]  }
0x31: {  	[smem:$0x3FBA] =	sst s10  }
0x32: {  	s10 =	sld [smem:$0x3FB8];
	_ =	sdelay $0x3  }
0x33: {  	p0 =	seq.s32 s10, $0x1;
	s10 =	sld [smem:$0x3FBA];
	_ =	sdelay $0x3  }
0x34: {  	[smem:$0x3FBA] =	sst s10  }
0x35: {  	s10 =	sld [smem:$0x3FB9];
	_ =	sdelay $0x3  }
0x36: {  	p1 =	seq.s32 s10, $0x1;
	s10 =	sld [smem:$0x3FBA];
	_ =	sdelay $0x3  }
0x37: {  	[smem:$0x3FBA] =	sst s10  }
0x38: {  	s10 =	sld [smem:$0x3FBB]  }
0x39: {  	_ = 	snop;
	(pc) =	sbr.ind lr, $3  }
0x3a: {  	_ = 	snop  }
0x3b: {  	_ = 	snop  }
0x3c: {  	p2 =	seq.s32 s10, $0x1;
	s10 =	sld [smem:$0x3FBA]  }
0x3d: {  	_ =	shalt  }
0x3e: {  	_ =	shalt  }
0x3f: {  	_ =	shalt  }
0x40: {  	_ =	shalt  }
0x41: {  	_ =	shalt  }
0x42: {  	_ =	shalt  }
0x43: {  	_ =	shalt  }
0x44: {  	_ =	shalt  }
0x45: {  	_ =	shalt  }
0x46: {  	_ =	shalt  }
0x47: {  	_ =	shalt  }
0x48: {  	_ =	shalt  }
0x49: {  	_ =	shalt  }
0x4a: {  	_ =	shalt  }
0x4b: {  	_ =	shalt  }
0x4c: {  	_ =	shalt  }
0x4d: {  	_ =	shalt  }
0x4e: {  	_ =	shalt  }
0x4f: {  	_ =	shalt  }
0x50: {  	_ =	shalt  }
0x51: {  	_ =	shalt  }
0x52: {  	_ =	shalt  }
0x53: {  	_ =	shalt  }
0x54: {  	_ =	shalt  }
0x55: {  	_ =	shalt  }
0x56: {  	_ =	shalt  }
0x57: {  	_ =	shalt  }
0x58: {  	_ =	shalt  }
0x59: {  	_ =	shalt  }
0x5a: {  	_ =	shalt  }
0x5b: {  	_ =	shalt  }
0x5c: {  	_ =	shalt  }
0x5d: {  	_ =	shalt  }
0x5e: {  	_ =	shalt  }
0x5f: {  	_ =	shalt  }
0x60: {  	_ =	shalt  }
0x61: {  	_ =	shalt  }
0x62: {  	_ =	shalt  }
0x63: {  	_ =	shalt  }
0x64: {  	_ =	shalt  }
0x65: {  	_ =	shalt  }
0x66: {  	_ =	shalt  }
0x67: {  	_ =	shalt  }
0x68: {  	_ =	shalt  }
0x69: {  	_ =	shalt  }
0x6a: {  	_ =	shalt  }
0x6b: {  	_ =	shalt  }
0x6c: {  	_ =	shalt  }
0x6d: {  	_ =	shalt  }
0x6e: {  	_ =	shalt  }
0x6f: {  	_ =	shalt  }
0x70: {  	_ =	shalt  }
0x71: {  	_ =	shalt  }
0x72: {  	_ =	shalt  }
0x73: {  	_ =	shalt  }
0x74: {  	_ =	shalt  }
0x75: {  	_ =	shalt  }
0x76: {  	_ =	shalt  }
0x77: {  	_ =	shalt  }
0x78: {  	_ =	shalt  }
0x79: {  	_ =	shalt  }
0x7a: {  	_ =	shalt  }
0x7b: {  	_ =	shalt  }
0x7c: {  	_ =	shalt  }
0x7d: {  	_ =	shalt  }
0x7e: {  	_ =	shalt  }
0x7f: {  	_ =	shalt  }
0x80: {  	_ =	shalt  }
0x81: {  	_ =	shalt  }
0x82: {  	_ =	shalt  }
0x83: {  	_ =	shalt  }
0x84: {  	_ =	shalt  }
0x85: {  	_ =	shalt  }
0x86: {  	_ =	shalt  }
0x87: {  	_ =	shalt  }
.Lfunc_end0:
.L_simem_size_0:
called_computation_lowered:
.L_overlay_start_0:
0x88: {  	s2 =	sld [smem:$0x3FD9]  }
0x89: {  	s3 =	sld [smem:$0x3FFE];
	_ =	sdelay $0x1  }
0x8a: {  	s1 =	srdreg.scid  }
0x8b: {  	s0 =	sand.u32 $0x1, s1  }
0x8c: {  	s17 =	sshll.u32 s0, $0xA;
	s2 =	sadd.s32 s3, s2  }
0x8d: {  	s2 =	sadd.s32 s2, s17  }
0x8e: {  	[smem:$0x3FC6] =	sst s2  }
0x8f: {  	_ = 	snop  }
0x90: {  	s2 =	sld [smem:$0x3FD0];
	(tm) =	ssettm $0x1  }
0x91: {  	s18 =	sld [smem:$0x3FFB];
	_ =	sdelay $0x3  }
0x92: {  	_ =	strace s18  }
0x93: {  	s3 =	sld [smem:$0x3FFC];
	_ =	sdelay $0x3  }
0x94: {  	_ =	strace s3  }
0x95: {  	s3 =	sld [smem:$0x3FFD];
	_ =	sdelay $0x3  }
0x96: {  	_ =	strace s3  }
0x97: {  	_ =	strace $0x8FFFFFFF  }
0x98: {  	s19 =	sld [smem:$0x3FDB];
	_ =	sdelay $0x1  }
0x99: {  	s4 =	simm.s32 $_scs_section_size  }
0x9a: {  	s5 =	simm.s32 $_size__tile_overlayer_lowered;
	s6 =	simm.s32 $_tile_overlayer_lowered  }
0x9b: {  	s22 =	simm.s32 $0x1BFF;
	s21 =	sshll.u32 s6, $0x1;
	s3 =	sadd.s32 s4, s19  }
0x9c: {  	s7 =	simm.s32 $0x0;
	s20 =	sshll.u32 s5, $0x1;
	s5 =	sadd.s32 s21, s3  }
0x9d: {  	[timem:s7], [sflag:s22] =	dma.local [hbm:s5], s20  }
0x9e: {  	_ =	swait.ge [sflag:s22], s20  }
0x9f: {  	s4 =	ssub.s32 $0x0, s20;
	[sflag:s22] =	ssyncset.done $0x0  }
0xa0: {  	[sflag:s22] =	ssyncadd.s32 s4;
	_ =	sdelay $0x1  }
0xa1: {  	s23 =	simm.s32 $0x1B8B  }
0xa2: {  	_ =	swait.ge [sflag:s23], $0x1  }
0xa3: {  	[sflag:s23] =	ssyncset.done $0x0  }
0xa4: {  	s25 =	simm.s32 $0x1B8E;
	s24 =	sld [smem:$0x3FFE];
	[sflag:s23] =	ssyncadd.s32 $0xFFFFFFFF  }
0xa5: {  	s26 =	simm.s32 $execute0_lowered;
	[smem:$0x3FD2] =	sst s25  }
0xa6: {  	s5 =	sshll.u32 s26, $0x1;
	_ =	strace $0x80000046;
	[dreg:$0x1] =	wrdreg $0xFFFFFFFF  }
0xa7: {  	s28 =	simm.s32 $_size_execute0_lowered;
	s3 =	sadd.s32 s3, s5;
	[dreg:$0x0] =	wrdreg $0x0  }
0xa8: {  	s5 =	sshll.u32 s28, $0x1;
	[dreg:$0x2] =	wrdreg s3  }
0xa9: {  	[dreg:$0x3] =	wrdreg s5  }
0xaa: {  	[dreg:$0x4] =	wrdreg $0xC0  }
0xab: {  	_ =	task [dreg:s7], $0x5FFFF  }
0xac: {  	[dreg:$0x1] =	wrdreg $0xFFFFFFFF  }
0xad: {  	[dreg:$0x0] =	wrdreg $0x60  }
0xae: {  	[dreg:$0x2] =	wrdreg s2  }
0xaf: {  	[dreg:$0x3] =	wrdreg s24  }
0xb0: {  	[dreg:$0x4] =	wrdreg $0x9  }
0xb1: {  	_ =	task.clear_ibuf [dreg:s7], $0x5FFFF;
	_ =	strace $0x90000046  }
0xb2: {  	s29 =	simm.s32 $0x9;
	_ =	strace $0x80000048  }
0xb3: {  	_ =	swait.ge [sflag:s29], $0x1  }
0xb4: {  	[sflag:s29] =	ssyncadd.s32 $0xFFFFFFFF  }
0xb5: {  	_ =	strace $0x90000048  }
0xb6: {  	_ =	sfence  }
0xb7: {  	s30 =	sld [smem:$0x0];
	_ =	sdelay $0x2  }
0xb8: {  	s31 =	sshll.u32 s1, $0xD;
	s1 =	sshrl.u32 s1, $0x2  }
0xb9: {  	s3 =	sand.u32 $0x4000, s31;
	s1 =	sadd.s32 s1, s30  }
0xba: {  	s0 =	sor.u32 s3, s0;
	s1 =	sshll.u32 s1, $0x11  }
0xbb: {  	s0 =	sor.u32 s1, s0  }
0xbc: {  	s0 =	sadd.s32 $0x8F2B, s0  }
0xbd: {  	[sflag:s0] =	ssyncadd.remote.s32 $0x1  }
0xbe: {  	_ =	sfence.sel $0xFFFF  }
0xbf: {  	[dreg:$0x0] =	wrdreg $0xFFFFFFFF;
	(pc) =	sbr.abs _section_cstart, $3  }
0xc0: {  	[dreg:$0x1] =	wrdreg $0xFFFFFFFF  }
0xc1: {  	_ =	task.clear_ibuf [dreg:s7], $0x2FFFF;
	_ =	strace $0x9FFFFFFF  }
0xc2: {  	(tm) =	ssettm $0x7FFFFFFF  }
0xc3: {  	_ =	shalt  }
tec
execute0_lowered:
.L_overlay_start_1:
0x0: {  	(tag) =	ssettag $0x1  }
0x1: {  	s0 =	rddreg [dreg:$0x0]  }
0x2: {  	s1 =	rddreg [dreg:$0x1]  }
0x3: {  	s3 =	srdreg.scid;
	s4 =	stileid.u32;
	s2 =	simm.s32 $0x0  }
0x4: {  	s19 =	simm.s32 $0x3;
	s20 =	simm.s32 $0x80;
	s21 =	simm.s32 $0xD00  }
0x5: {  	s22 =	simm.s32 $0x4D00;
	s24 =	simm.s32 $0x8D00;
	s28 =	simm.s32 $0x1  }
0x6: {  	s31 =	simm.s32 $0x2;
	s3 =	sand.u32 $0x1, s3;
	s4 =	sshll.u32 s4, $0x1  }
0x7: {  	s30 =	simm.s32 $0xB80;
	s23 =	simm.s32 $0x0;
	s4 =	sor.u32 s3, s4  }
0x8: {  	[smem:$0x7FF] =	sst s2;
	s6 =	sadd.s32 $0x600, s1;
	s5 =	smul.u32 $0x68000, s4  }
0x9: {  	_ =	strace $0x80000047;
	s7 =	ssub.s32 $0x2, s3;
	s8 =	smul.u32 $0x1A0, s4  }
0xa: {  	s3 =	sadd.s32 $0x27ACA00, s1;
	s9 =	sshrl.u32 s7, $0x1;
	s10 =	smul.u32 $0xD000, s4  }
0xb: {  	s1 =	simm.s32 $0xC80;
	s29 =	ssub.s32 s7, s9;
	s26 =	sshrl.u32 s5, $0x3  }
0xc: {  	s4 =	sadd.s32 s0, s8;
	s5 =	sadd.s32 s6, s10;
	s18 =	smax.u32 s29, $0x1  }
0xd: {  	s0 =	simm.s32 $0xC00;
	s17 =	sadd.s32 s6, s26;
	s26 =	simm.s32 $0xCD00  }
0xe: {  	s6 =	sadd.s32 $0x1000, s17;
	s7 =	sadd.s32 $0x2000, s17;
	s8 =	sadd.s32 $0x3000, s17  }
0xf: {  	s9 =	sadd.s32 $0x4000, s17;
	s10 =	sadd.s32 $0x5000, s17;
	s11 =	sadd.s32 $0x6000, s17  }
0x10: {  	s12 =	sadd.s32 $0x7000, s17;
	s13 =	sadd.s32 $0x8000, s17;
	s14 =	sadd.s32 $0x9000, s17  }
0x11: {  	v0 =	vlaneseq.u32;
	s15 =	sadd.s32 $0xA000, s17;
	s16 =	sadd.s32 $0xB000, s17;
	s17 =	sadd.s32 $0xC000, s17  }
.LBB2_1:
0x12: {  	v1 =	vor.u32 s2, v0  }
0x13: {  	v2 =	vmulhi.u32 $0x4EC4EC4F, v1  }
0x14: {  	[tilespmem:s2], [sflag:$0x3] =	stream.linear.gather [hbm4b:s4+s2], $0xD00, $0x38;
	[tilespmem:$0x10D00] =	vst v63  }
0x15: {  	_ =	swait.ge [sflag:s19], $0xD00;
	v2 =	vshrl.u32 v2, $0x3  }
0x16: {  	[sflag:s19] =	ssyncset.done $0x0;
	v2 =	vmul.u32 $0x1A, v2  }
0x17: {  	[sflag:s19] =	ssyncadd.s32 $0xFFFFF300  }
0x18: {  	v3 =	vsub.s32 v1, v2;
	v2 =	vld [tilespmem:s2+$0x0];
	_ =	sdelay $0x1  }
0x19: {  	s25 =	simm.s32 $0x10  }
0x1a: {  	s29 =	simm.s32 $0x20;
	v1 =	vor.u32 s25, v0;
	s25 =	simm.s32 $0x0;
	v3 =	vmul.u32 $0x186A0, v3  }
.LBB2_2:
0x1b: {  	p0 =	sne.s32 s29, $0xCF0;
	v4 =	vmulhi.u32 $0x4EC4EC4F, v1  }
0x1c: {  	v2 =	vadd.s32 v3, v2  }
.Ltmp0:
0x1d: {  	v3 =	vshrl.u32 v4, $0x3;
	[tilespmem:s25+$0x0] =	vst v2;
	s25 =	sadd.s32 $0x10, s25;
	(pc) =	sbr.rel @p0 .LBB2_2-.Ltmp0, $3  }
0x1e: {  	v3 =	vmul.u32 $0x1A, v3;
	v2 =	vld [tilespmem:s25+$0x0];
	_ =	sdelay $0x1  }
0x1f: {  	v3 =	vsub.s32 v1, v3  }
0x20: {  	v1 =	vor.u32 s29, v0;
	s29 =	sadd.s32 $0x10, s29;
	v3 =	vmul.u32 $0x186A0, v3  }
0x21: {  	v4 =	vmulhi.u32 $0x4EC4EC4F, v1  }
0x22: {  	v2 =	vadd.s32 v3, v2  }
0x23: {  	s29 =	sadd.s32 $0x10, s25;
	v3 =	vshrl.u32 v4, $0x3;
	[tilespmem:s25+$0x0] =	vst v2  }
0x24: {  	v2 =	vmul.u32 $0x1A, v3;
	v3 =	vld [tilespmem:s29+$0x0];
	_ =	sdelay $0x1  }
0x25: {  	v1 =	vsub.s32 v1, v2  }
0x26: {  	v1 =	vmul.u32 $0x186A0, v1;
	_ =	sdelay $0x1  }
0x27: {  	v1 =	vadd.s32 v1, v3  }
0x28: {  	[tilespmem:s29+$0x0] =	vst v1  }
0x29: {  	[tilespmem:s21], [sflag:$0x1] =	stream.indirect.gather [hbm4b:s3+s20], $0x80, s2, s20, $0xb8;
	[tilespmem:$0x10D00] =	vst v63  }
0x2a: {  	_ = 	snop  }
0x2b: {  	[tilespmem:s22], [sflag:$0x1] =	stream.indirect.gather [hbm4b:s3+s20], $0x80, s20, s20, $0xb8;
	[tilespmem:$0x10D00] =	vst v63  }
0x2c: {  	s29 =	simm.s32 $0x100  }
0x2d: {  	[tilespmem:s24], [sflag:$0x2] =	stream.indirect.gather [hbm4b:s3+s20], $0x80, s29, s20, $0xb8;
	[tilespmem:$0x10D00] =	vst v63  }
0x2e: {  	s29 =	simm.s32 $0x180  }
0x2f: {  	[tilespmem:s26], [sflag:$0x2] =	stream.indirect.gather [hbm4b:s3+s20], $0x80, s29, s20, $0xb8;
	[tilespmem:$0x10D00] =	vst v63  }
0x30: {  	_ =	swait.ge [sflag:s28], $0x4000  }
0x31: {  	[sflag:s28] =	ssyncset.done $0x0  }
0x32: {  	[sflag:s28] =	ssyncadd.s32 $0xFFFFC000  }
0x33: {  	_ =	swait.ge [sflag:s28], $0x4000  }
0x34: {  	[sflag:s28] =	ssyncset.done $0x0  }
0x35: {  	[sflag:s28] =	ssyncadd.s32 $0xFFFFC000  }
0x36: {  	[hbm4b:s5+s2] =	stream.linear.scatter [tilespmem:s21], [sflag:$0x3], $0x8000, $0x38;
	[tilespmem:$0x10D00] =	vst v63  }
0x37: {  	_ =	swait.ge [sflag:s19], $0x8000  }
0x38: {  	[sflag:s19] =	ssyncset.done $0x0  }
0x39: {  	s29 =	simm.s32 $0x200;
	[sflag:s19] =	ssyncadd.s32 $0xFFFF8000  }
0x3a: {  	[tilespmem:s21], [sflag:$0x1] =	stream.indirect.gather [hbm4b:s3+s20], $0x80, s29, s20, $0xb8;
	[tilespmem:$0x10D00] =	vst v63  }
0x3b: {  	s29 =	simm.s32 $0x280  }
0x3c: {  	[tilespmem:s22], [sflag:$0x1] =	stream.indirect.gather [hbm4b:s3+s20], $0x80, s29, s20, $0xb8;
	[tilespmem:$0x10D00] =	vst v63  }
0x3d: {  	_ =	swait.ge [sflag:s31], $0x4000  }
0x3e: {  	[sflag:s31] =	ssyncset.done $0x0  }
0x3f: {  	[sflag:s31] =	ssyncadd.s32 $0xFFFFC000  }
0x40: {  	_ =	swait.ge [sflag:s31], $0x4000  }
0x41: {  	[sflag:s31] =	ssyncset.done $0x0  }
0x42: {  	[sflag:s31] =	ssyncadd.s32 $0xFFFFC000  }
0x43: {  	[hbm4b:s6+s2] =	stream.linear.scatter [tilespmem:s24], [sflag:$0x3], $0x8000, $0x38;
	[tilespmem:$0x10D00] =	vst v63  }
0x44: {  	_ =	swait.ge [sflag:s19], $0x8000  }
0x45: {  	[sflag:s19] =	ssyncset.done $0x0  }
0x46: {  	s29 =	simm.s32 $0x300;
	[sflag:s19] =	ssyncadd.s32 $0xFFFF8000  }
0x47: {  	[tilespmem:s24], [sflag:$0x2] =	stream.indirect.gather [hbm4b:s3+s20], $0x80, s29, s20, $0xb8;
	[tilespmem:$0x10D00] =	vst v63  }
0x48: {  	s29 =	simm.s32 $0x380  }
0x49: {  	[tilespmem:s26], [sflag:$0x2] =	stream.indirect.gather [hbm4b:s3+s20], $0x80, s29, s20, $0xb8;
	[tilespmem:$0x10D00] =	vst v63  }
0x4a: {  	_ =	swait.ge [sflag:s28], $0x4000  }
0x4b: {  	[sflag:s28] =	ssyncset.done $0x0  }
0x4c: {  	[sflag:s28] =	ssyncadd.s32 $0xFFFFC000  }
0x4d: {  	_ =	swait.ge [sflag:s28], $0x4000  }
0x4e: {  	[sflag:s28] =	ssyncset.done $0x0  }
0x4f: {  	[sflag:s28] =	ssyncadd.s32 $0xFFFFC000  }
0x50: {  	[hbm4b:s7+s2] =	stream.linear.scatter [tilespmem:s21], [sflag:$0x3], $0x8000, $0x38;
	[tilespmem:$0x10D00] =	vst v63  }
0x51: {  	_ =	swait.ge [sflag:s19], $0x8000  }
0x52: {  	[sflag:s19] =	ssyncset.done $0x0  }
0x53: {  	s29 =	simm.s32 $0x400;
	[sflag:s19] =	ssyncadd.s32 $0xFFFF8000  }
0x54: {  	[tilespmem:s21], [sflag:$0x1] =	stream.indirect.gather [hbm4b:s3+s20], $0x80, s29, s20, $0xb8;
	[tilespmem:$0x10D00] =	vst v63  }
0x55: {  	s29 =	simm.s32 $0x480  }
0x56: {  	[tilespmem:s22], [sflag:$0x1] =	stream.indirect.gather [hbm4b:s3+s20], $0x80, s29, s20, $0xb8;
	[tilespmem:$0x10D00] =	vst v63  }
0x57: {  	_ =	swait.ge [sflag:s31], $0x4000  }
0x58: {  	[sflag:s31] =	ssyncset.done $0x0  }
0x59: {  	[sflag:s31] =	ssyncadd.s32 $0xFFFFC000  }
0x5a: {  	_ =	swait.ge [sflag:s31], $0x4000  }
0x5b: {  	[sflag:s31] =	ssyncset.done $0x0  }
0x5c: {  	[sflag:s31] =	ssyncadd.s32 $0xFFFFC000  }
0x5d: {  	[hbm4b:s8+s2] =	stream.linear.scatter [tilespmem:s24], [sflag:$0x3], $0x8000, $0x38;
	[tilespmem:$0x10D00] =	vst v63  }
0x5e: {  	_ =	swait.ge [sflag:s19], $0x8000  }
0x5f: {  	[sflag:s19] =	ssyncset.done $0x0  }
0x60: {  	s29 =	simm.s32 $0x500;
	[sflag:s19] =	ssyncadd.s32 $0xFFFF8000  }
0x61: {  	[tilespmem:s24], [sflag:$0x2] =	stream.indirect.gather [hbm4b:s3+s20], $0x80, s29, s20, $0xb8;
	[tilespmem:$0x10D00] =	vst v63  }
0x62: {  	s29 =	simm.s32 $0x580  }
0x63: {  	[tilespmem:s26], [sflag:$0x2] =	stream.indirect.gather [hbm4b:s3+s20], $0x80, s29, s20, $0xb8;
	[tilespmem:$0x10D00] =	vst v63  }
0x64: {  	_ =	swait.ge [sflag:s28], $0x4000  }
0x65: {  	[sflag:s28] =	ssyncset.done $0x0  }
0x66: {  	[sflag:s28] =	ssyncadd.s32 $0xFFFFC000  }
0x67: {  	_ =	swait.ge [sflag:s28], $0x4000  }
0x68: {  	[sflag:s28] =	ssyncset.done $0x0  }
0x69: {  	[sflag:s28] =	ssyncadd.s32 $0xFFFFC000  }
0x6a: {  	[hbm4b:s9+s2] =	stream.linear.scatter [tilespmem:s21], [sflag:$0x3], $0x8000, $0x38;
	[tilespmem:$0x10D00] =	vst v63  }
0x6b: {  	_ =	swait.ge [sflag:s19], $0x8000  }
0x6c: {  	[sflag:s19] =	ssyncset.done $0x0  }
0x6d: {  	s29 =	simm.s32 $0x600;
	[sflag:s19] =	ssyncadd.s32 $0xFFFF8000  }
0x6e: {  	[tilespmem:s21], [sflag:$0x1] =	stream.indirect.gather [hbm4b:s3+s20], $0x80, s29, s20, $0xb8;
	[tilespmem:$0x10D00] =	vst v63  }
0x6f: {  	s29 =	simm.s32 $0x680  }
0x70: {  	[tilespmem:s22], [sflag:$0x1] =	stream.indirect.gather [hbm4b:s3+s20], $0x80, s29, s20, $0xb8;
	[tilespmem:$0x10D00] =	vst v63  }
0x71: {  	_ =	swait.ge [sflag:s31], $0x4000  }
0x72: {  	[sflag:s31] =	ssyncset.done $0x0  }
0x73: {  	[sflag:s31] =	ssyncadd.s32 $0xFFFFC000  }
0x74: {  	_ =	swait.ge [sflag:s31], $0x4000  }
0x75: {  	[sflag:s31] =	ssyncset.done $0x0  }
0x76: {  	[sflag:s31] =	ssyncadd.s32 $0xFFFFC000  }
0x77: {  	[hbm4b:s10+s2] =	stream.linear.scatter [tilespmem:s24], [sflag:$0x3], $0x8000, $0x38;
	[tilespmem:$0x10D00] =	vst v63  }
0x78: {  	_ =	swait.ge [sflag:s19], $0x8000  }
0x79: {  	[sflag:s19] =	ssyncset.done $0x0  }
0x7a: {  	s29 =	simm.s32 $0x700;
	[sflag:s19] =	ssyncadd.s32 $0xFFFF8000  }
0x7b: {  	[tilespmem:s24], [sflag:$0x2] =	stream.indirect.gather [hbm4b:s3+s20], $0x80, s29, s20, $0xb8;
	[tilespmem:$0x10D00] =	vst v63  }
0x7c: {  	s29 =	simm.s32 $0x780  }
0x7d: {  	[tilespmem:s26], [sflag:$0x2] =	stream.indirect.gather [hbm4b:s3+s20], $0x80, s29, s20, $0xb8;
	[tilespmem:$0x10D00] =	vst v63  }
0x7e: {  	_ =	swait.ge [sflag:s28], $0x4000  }
0x7f: {  	[sflag:s28] =	ssyncset.done $0x0  }
0x80: {  	[sflag:s28] =	ssyncadd.s32 $0xFFFFC000  }
0x81: {  	_ =	swait.ge [sflag:s28], $0x4000  }
0x82: {  	[sflag:s28] =	ssyncset.done $0x0  }
0x83: {  	[sflag:s28] =	ssyncadd.s32 $0xFFFFC000  }
0x84: {  	[hbm4b:s11+s2] =	stream.linear.scatter [tilespmem:s21], [sflag:$0x3], $0x8000, $0x38;
	[tilespmem:$0x10D00] =	vst v63  }
0x85: {  	_ =	swait.ge [sflag:s19], $0x8000  }
0x86: {  	[sflag:s19] =	ssyncset.done $0x0  }
0x87: {  	s29 =	simm.s32 $0x800;
	[sflag:s19] =	ssyncadd.s32 $0xFFFF8000  }
0x88: {  	[tilespmem:s21], [sflag:$0x1] =	stream.indirect.gather [hbm4b:s3+s20], $0x80, s29, s20, $0xb8;
	[tilespmem:$0x10D00] =	vst v63  }
0x89: {  	s29 =	simm.s32 $0x880  }
0x8a: {  	[tilespmem:s22], [sflag:$0x1] =	stream.indirect.gather [hbm4b:s3+s20], $0x80, s29, s20, $0xb8;
	[tilespmem:$0x10D00] =	vst v63  }
0x8b: {  	_ =	swait.ge [sflag:s31], $0x4000  }
0x8c: {  	[sflag:s31] =	ssyncset.done $0x0  }
0x8d: {  	[sflag:s31] =	ssyncadd.s32 $0xFFFFC000  }
0x8e: {  	_ =	swait.ge [sflag:s31], $0x4000  }
0x8f: {  	[sflag:s31] =	ssyncset.done $0x0  }
0x90: {  	[sflag:s31] =	ssyncadd.s32 $0xFFFFC000  }
0x91: {  	[hbm4b:s12+s2] =	stream.linear.scatter [tilespmem:s24], [sflag:$0x3], $0x8000, $0x38;
	[tilespmem:$0x10D00] =	vst v63  }
0x92: {  	_ =	swait.ge [sflag:s19], $0x8000  }
0x93: {  	[sflag:s19] =	ssyncset.done $0x0  }
0x94: {  	s29 =	simm.s32 $0x900;
	[sflag:s19] =	ssyncadd.s32 $0xFFFF8000  }
0x95: {  	[tilespmem:s24], [sflag:$0x2] =	stream.indirect.gather [hbm4b:s3+s20], $0x80, s29, s20, $0xb8;
	[tilespmem:$0x10D00] =	vst v63  }
0x96: {  	s29 =	simm.s32 $0x980  }
0x97: {  	[tilespmem:s26], [sflag:$0x2] =	stream.indirect.gather [hbm4b:s3+s20], $0x80, s29, s20, $0xb8;
	[tilespmem:$0x10D00] =	vst v63  }
0x98: {  	_ =	swait.ge [sflag:s28], $0x4000  }
0x99: {  	[sflag:s28] =	ssyncset.done $0x0  }
0x9a: {  	[sflag:s28] =	ssyncadd.s32 $0xFFFFC000  }
0x9b: {  	_ =	swait.ge [sflag:s28], $0x4000  }
0x9c: {  	[sflag:s28] =	ssyncset.done $0x0  }
0x9d: {  	[sflag:s28] =	ssyncadd.s32 $0xFFFFC000  }
0x9e: {  	[hbm4b:s13+s2] =	stream.linear.scatter [tilespmem:s21], [sflag:$0x3], $0x8000, $0x38;
	[tilespmem:$0x10D00] =	vst v63  }
0x9f: {  	_ =	swait.ge [sflag:s19], $0x8000  }
0xa0: {  	[sflag:s19] =	ssyncset.done $0x0  }
0xa1: {  	s29 =	simm.s32 $0xA00;
	[sflag:s19] =	ssyncadd.s32 $0xFFFF8000  }
0xa2: {  	[tilespmem:s21], [sflag:$0x1] =	stream.indirect.gather [hbm4b:s3+s20], $0x80, s29, s20, $0xb8;
	[tilespmem:$0x10D00] =	vst v63  }
0xa3: {  	s29 =	simm.s32 $0xA80  }
0xa4: {  	[tilespmem:s22], [sflag:$0x1] =	stream.indirect.gather [hbm4b:s3+s20], $0x80, s29, s20, $0xb8;
	[tilespmem:$0x10D00] =	vst v63  }
0xa5: {  	_ =	swait.ge [sflag:s31], $0x4000  }
0xa6: {  	[sflag:s31] =	ssyncset.done $0x0  }
0xa7: {  	[sflag:s31] =	ssyncadd.s32 $0xFFFFC000  }
0xa8: {  	_ =	swait.ge [sflag:s31], $0x4000  }
0xa9: {  	[sflag:s31] =	ssyncset.done $0x0  }
0xaa: {  	[sflag:s31] =	ssyncadd.s32 $0xFFFFC000  }
0xab: {  	[hbm4b:s14+s2] =	stream.linear.scatter [tilespmem:s24], [sflag:$0x3], $0x8000, $0x38;
	[tilespmem:$0x10D00] =	vst v63  }
0xac: {  	_ =	swait.ge [sflag:s19], $0x8000  }
0xad: {  	[sflag:s19] =	ssyncset.done $0x0  }
0xae: {  	s29 =	simm.s32 $0xB00;
	[sflag:s19] =	ssyncadd.s32 $0xFFFF8000  }
0xaf: {  	[tilespmem:s24], [sflag:$0x2] =	stream.indirect.gather [hbm4b:s3+s20], $0x80, s29, s20, $0xb8;
	[tilespmem:$0x10D00] =	vst v63  }
0xb0: {  	_ = 	snop  }
0xb1: {  	[tilespmem:s26], [sflag:$0x2] =	stream.indirect.gather [hbm4b:s3+s20], $0x80, s30, s20, $0xb8;
	[tilespmem:$0x10D00] =	vst v63  }
0xb2: {  	_ =	swait.ge [sflag:s28], $0x4000  }
0xb3: {  	[sflag:s28] =	ssyncset.done $0x0  }
0xb4: {  	[sflag:s28] =	ssyncadd.s32 $0xFFFFC000  }
0xb5: {  	_ =	swait.ge [sflag:s28], $0x4000  }
0xb6: {  	[sflag:s28] =	ssyncset.done $0x0  }
0xb7: {  	[sflag:s28] =	ssyncadd.s32 $0xFFFFC000  }
0xb8: {  	[hbm4b:s15+s2] =	stream.linear.scatter [tilespmem:s21], [sflag:$0x3], $0x8000, $0x38;
	[tilespmem:$0x10D00] =	vst v63  }
0xb9: {  	_ =	swait.ge [sflag:s19], $0x8000  }
0xba: {  	[sflag:s19] =	ssyncset.done $0x0  }
0xbb: {  	[sflag:s19] =	ssyncadd.s32 $0xFFFF8000  }
0xbc: {  	[tilespmem:s21], [sflag:$0x1] =	stream.indirect.gather [hbm4b:s3+s20], $0x80, s0, s20, $0xb8;
	[tilespmem:$0x10D00] =	vst v63  }
0xbd: {  	_ = 	snop  }
0xbe: {  	[tilespmem:s22], [sflag:$0x1] =	stream.indirect.gather [hbm4b:s3+s20], $0x80, s1, s20, $0xb8;
	[tilespmem:$0x10D00] =	vst v63  }
0xbf: {  	_ =	swait.ge [sflag:s31], $0x4000  }
0xc0: {  	[sflag:s31] =	ssyncset.done $0x0  }
0xc1: {  	[sflag:s31] =	ssyncadd.s32 $0xFFFFC000  }
0xc2: {  	_ =	swait.ge [sflag:s31], $0x4000  }
0xc3: {  	[sflag:s31] =	ssyncset.done $0x0  }
0xc4: {  	[sflag:s31] =	ssyncadd.s32 $0xFFFFC000  }
0xc5: {  	[hbm4b:s16+s2] =	stream.linear.scatter [tilespmem:s24], [sflag:$0x3], $0x8000, $0x38;
	[tilespmem:$0x10D00] =	vst v63  }
0xc6: {  	_ =	swait.ge [sflag:s19], $0x8000  }
0xc7: {  	[sflag:s19] =	ssyncset.done $0x0  }
0xc8: {  	[sflag:s19] =	ssyncadd.s32 $0xFFFF8000  }
0xc9: {  	_ =	swait.ge [sflag:s28], $0x4000  }
0xca: {  	[sflag:s28] =	ssyncset.done $0x0  }
0xcb: {  	[sflag:s28] =	ssyncadd.s32 $0xFFFFC000  }
0xcc: {  	s23 =	sadd.s32 $0x1, s23;
	_ =	swait.ge [sflag:s28], $0x4000  }
0xcd: {  	p0 =	sne.s32 s23, s18;
	[sflag:s28] =	ssyncset.done $0x0  }
.Ltmp1:
0xce: {  	[sflag:s28] =	ssyncadd.s32 $0xFFFFC000;
	(pc) =	sbr.rel @p0 .LBB2_1-.Ltmp1, $4  }
0xcf: {  	[hbm4b:s17+s2] =	stream.linear.scatter [tilespmem:s21], [sflag:$0x3], $0x8000, $0x38;
	[tilespmem:$0x10D00] =	vst v63  }
0xd0: {  	_ =	swait.ge [sflag:s19], $0x8000  }
0xd1: {  	[sflag:s19] =	ssyncset.done $0x0  }
0xd2: {  	[sflag:s19] =	ssyncadd.s32 $0xFFFF8000  }
0xd3: {  	_ =	sfence.sel $0x180000  }
0xd4: {  	[bflag:$0x0] =	sbarrier.arrive $0xFFFF  }
0xd5: {  	_ =	strace $0x90000047  }
0xd6: {  	s0 =	stileid.u32;
	[bflag:$0x2] =	sbarrier.arrive $0xFFFF  }
0xd7: {  	p0 =	sne.s32 s0, $0x0;
	s0 =	rddreg [dreg:$0x2]  }
0xd8: {  	s0 =	sadd.s32 @!p0 $0x100000, s0  }
0xd9: {  	[sflag:s0] =	ssyncadd.tile.s32 @!p0 $0x1;
	_ =	shalt  }
.Lfunc_end2:
_tile_overlayer_lowered:
.L_overlay_start_2:
0xda: {  	(tag) =	ssettag $0x2  }
0xdb: {  	s0 =	rddreg [dreg:$0x0];
	s2 =	stileid.u32  }
0xdc: {  	s1 =	rddreg [dreg:$0x1];
	p0 =	sne.s32 s2, $0x0  }
0xdd: {  	s3 =	rddreg [dreg:$0x2];
	[bflag:$0x3] =	sbarrier.arrive $0xFFFF;
	s2 =	simm.s32 @!p0 $0x1C03  }
0xde: {  	[timem:s3], [sflag:s2] =	dma.local @!p0 [hbm:s0], s1  }
0xdf: {  	s0 =	simm.s32 @!p0 $0x3  }
0xe0: {  	_ =	swait.ge @!p0 [sflag:s0], s1  }
0xe1: {  	s1 =	ssub.s32 @!p0 $0x0, s1;
	[sflag:s0] =	ssyncset.done @!p0 $0x0  }
0xe2: {  	[sflag:s0] =	ssyncadd.s32 @!p0 s1  }
0xe3: {  	[bflag:$0x3] =	sbarrier.arrive $0xFFFF  }
0xe4: {  	_ =	shalt  }

</sc_bundles>
